<compile_context>
chip_gen: v7x
topology: tpu7x:2x2x1
jax: 0.10.2.dev20260603
libtpu: 0.0.44.dev20260713+nightly
codegen_flags: <defaults>
</compile_context>

<pallas_src>
import functools

import jax
import jax.numpy as jnp
from jax import lax
from jax.experimental import pallas as pl
from jax.experimental.pallas import tpu as pltpu
from jax.experimental.pallas import tpu_sc as plsc

_B = 16384
_D = 64
_NC = 2
_NS = 16
_NW = _NC * _NS
_BPW = _B // _NW
_CH = 128
_NCHUNK = _BPW // _CH


def _neg_sqrt(s):
    sc = jnp.maximum(s, jnp.float32(1e-30))
    i = plsc.bitcast(sc, jnp.int32)
    i = jnp.int32(0x5F3759DF) - (i >> 1)
    y = plsc.bitcast(i, jnp.float32)
    half = sc * jnp.float32(0.5)
    for _ in range(3):
        y = y * (jnp.float32(1.5) - half * y * y)
    return -(s * y)


def _body(heads_hbm, rels_hbm, tails_hbm, ent_hbm, rel_hbm, out_hbm,
          hidx, ridx, tidx, hv, rv, tv, sums, outv, sem):
    wid = lax.axis_index("s") * _NC + lax.axis_index("c")
    base = wid * _BPW

    for j in range(_NCHUNK):
        off = base + j * _CH
        pltpu.sync_copy(heads_hbm.at[pl.ds(off, _CH)], hidx.at[j])
        pltpu.sync_copy(rels_hbm.at[pl.ds(off, _CH)], ridx.at[j])
        pltpu.sync_copy(tails_hbm.at[pl.ds(off, _CH)], tidx.at[j])

    copies = []
    for j in range(_NCHUNK):
        dst = pl.ds(j * _CH, _CH)
        copies.append(pltpu.async_copy(ent_hbm.at[hidx.at[j]], hv.at[dst], sem))
        copies.append(pltpu.async_copy(rel_hbm.at[ridx.at[j]], rv.at[dst], sem))
        copies.append(pltpu.async_copy(ent_hbm.at[tidx.at[j]], tv.at[dst], sem))
    for c in copies:
        c.wait()

    rows16 = lax.iota(jnp.int32, 16)

    def group(g, _):
        for k in range(16):
            i = g * 16 + k
            acc = jnp.zeros((16,), jnp.float32)
            for c in range(_D // 16):
                sl = pl.ds(c * 16, 16)
                d = hv[i, sl] + rv[i, sl] - tv[i, sl]
                acc = acc + d * d
            sums[k, pl.ds(0, 16)] = acc
        tot = jnp.zeros((16,), jnp.float32)
        for c in range(16):
            tot = tot + plsc.load_gather(
                sums, [rows16, jnp.full((16,), c, jnp.int32)])
        outv[pl.ds(g * 16, 16)] = _neg_sqrt(tot)
        return 0

    lax.fori_loop(0, _BPW // 16, group, 0)

    pltpu.sync_copy(outv, out_hbm.at[pl.ds(base, _BPW)])


@functools.partial(jax.jit)
def _transe_scores(heads, relations, tails, entity_emb, relation_emb):
    mesh = plsc.VectorSubcoreMesh(
        core_axis_name="c", subcore_axis_name="s",
        num_cores=_NC, num_subcores=_NS)
    run = pl.kernel(
        _body,
        out_type=jax.ShapeDtypeStruct((_B,), jnp.float32),
        mesh=mesh,
        compiler_params=pltpu.CompilerParams(
            needs_layout_passes=False, use_tc_tiling_on_sc=False),
        scratch_types=[
            pltpu.VMEM((_NCHUNK, _CH), jnp.int32),
            pltpu.VMEM((_NCHUNK, _CH), jnp.int32),
            pltpu.VMEM((_NCHUNK, _CH), jnp.int32),
            pltpu.VMEM((_BPW, _D), jnp.float32),
            pltpu.VMEM((_BPW, _D), jnp.float32),
            pltpu.VMEM((_BPW, _D), jnp.float32),
            pltpu.VMEM((16, 17), jnp.float32),
            pltpu.VMEM((_BPW,), jnp.float32),
            pltpu.SemaphoreType.DMA,
        ],
    )
    return run(heads, relations, tails, entity_emb, relation_emb)


def kernel(heads, relations, tails, entity_emb, relation_emb):
    return _transe_scores(heads.astype(jnp.int32), relations.astype(jnp.int32),
                          tails.astype(jnp.int32), entity_emb, relation_emb)

# --- scband reference (transcript-rebuilt; emitter-appended) ---
"""Pipeline reference for scband-trans-e-22531398435213 (READ-ONLY COPY).

The authoritative reference and input builder live on the scoring server;
editing this copy changes nothing except your own understanding.
"""

import jax, jax.numpy as jnp
import numpy as np

NUM_ENTITIES = 1000000
NUM_RELATIONS = 1000
EMBED_DIM = 64
BATCH = 16384


def _xavier_uniform(key, shape):
    fan_in, fan_out = shape[0], shape[1]
    limit = float(np.sqrt(6.0 / (fan_in + fan_out)))
    return jax.random.uniform(key, shape, dtype=jnp.float32, minval=-limit, maxval=limit)


def _renorm(w, maxnorm=1.0):
    # torch.renorm(p=2, dim=1, maxnorm=1): each row's L2 norm clipped to maxnorm
    norms = jnp.linalg.norm(w, axis=1, keepdims=True)
    scale = jnp.where(norms > maxnorm, maxnorm / jnp.maximum(norms, 1e-12), 1.0)
    return w * scale


def setup_inputs(seed: int = 0) -> dict:
    key = jax.random.key(seed)
    k1, k2, k3, k4, k5 = jax.random.split(key, 5)
    heads = jax.random.randint(k1, (BATCH,), 0, NUM_ENTITIES, dtype=jnp.int64 if jax.config.jax_enable_x64 else jnp.int32)
    relations = jax.random.randint(k2, (BATCH,), 0, NUM_RELATIONS, dtype=jnp.int64 if jax.config.jax_enable_x64 else jnp.int32)
    tails = jax.random.randint(k3, (BATCH,), 0, NUM_ENTITIES, dtype=jnp.int64 if jax.config.jax_enable_x64 else jnp.int32)
    entity_emb = _renorm(_xavier_uniform(k4, (NUM_ENTITIES, EMBED_DIM)), 1.0)
    relation_emb = _xavier_uniform(k5, (NUM_RELATIONS, EMBED_DIM))
    return {
        "heads": heads,
        "relations": relations,
        "tails": tails,
        "entity_emb": entity_emb,
        "relation_emb": relation_emb,
    }


def reference(heads, relations, tails, entity_emb, relation_emb):
    h = jnp.take(entity_emb, heads, axis=0)
    r = jnp.take(relation_emb, relations, axis=0)
    t = jnp.take(entity_emb, tails, axis=0)
    scores = -jnp.linalg.norm(h + r - t, ord=2, axis=1)
    return scores

if __name__ == "__main__":
    import jax
    _d = setup_inputs()
    print(jax.jit(kernel)(*tuple(_d.values())))

</pallas_src>

<mosaic_0001>
#map = affine_map<(d0, d1) -> (0)>
#map1 = affine_map<(d0, d1) -> (0, 0)>
module attributes {stable_mosaic.version = 14 : i64} {
  func.func @_body(%arg0: i32, %arg1: i32, %arg2: memref<16384xi32, #tpu.memory_space<hbm>>, %arg3: memref<16384xi32, #tpu.memory_space<hbm>>, %arg4: memref<16384xi32, #tpu.memory_space<hbm>>, %arg5: memref<1000000x64xf32, #tpu.memory_space<hbm>>, %arg6: memref<1000x64xf32, #tpu.memory_space<hbm>>, %arg7: memref<16384xf32, #tpu.memory_space<hbm>>, %arg8: memref<4x128xi32, #tpu.memory_space<vmem>>, %arg9: memref<4x128xi32, #tpu.memory_space<vmem>>, %arg10: memref<4x128xi32, #tpu.memory_space<vmem>>, %arg11: memref<512x64xf32, #tpu.memory_space<vmem>>, %arg12: memref<512x64xf32, #tpu.memory_space<vmem>>, %arg13: memref<512x64xf32, #tpu.memory_space<vmem>>, %arg14: memref<16x17xf32, #tpu.memory_space<vmem>>, %arg15: memref<512xf32, #tpu.memory_space<vmem>>, %arg16: memref<!tpu.dma_semaphore, #tpu.memory_space<semaphore_mem>>) attributes {dimension_semantics = [#tpu.dimension_semantics<core_parallel>, #tpu.dimension_semantics<subcore_parallel>], iteration_bounds = array<i64: 2, 16>, scalar_prefetch = 0 : i64, scratch_operands = 9 : i64, tpu.core_type = #tpu.core_type<sc_vector_subcore>, window_params = [{transform_indices = #map}, {transform_indices = #map}, {transform_indices = #map}, {transform_indices = #map1}, {transform_indices = #map1}, {transform_indices = #map}]} {
    %mul3A = arith.constant 2 : i32
    %mul3A_0 = arith.muli %arg1, %mul3A : i32
    %add3A = arith.addi %mul3A_0, %arg0 : i32
    %mul3A_1 = arith.constant 512 : i32
    %mul3A_2 = arith.muli %add3A, %mul3A_1 : i32
    %add3A_3 = arith.constant 0 : i32
    %add3A_4 = arith.addi %mul3A_2, %add3A_3 : i32
    %run_scoped3A = arith.constant 0 : i32
    "tpu.region"() ({
      %run_scoped3A_266 = tpu.sem_alloc : memref<!tpu.dma_semaphore, #tpu.memory_space<semaphore_mem>>
      %dma_start3A_267 = arith.constant 0 : i32
      %dma_start3A_268 = tpu.memref_slice %arg8[%run_scoped3A, %dma_start3A_267] : memref<4x128xi32, #tpu.memory_space<vmem>> -> memref<1x128xi32, #tpu.memory_space<vmem>>
      %dma_start3A_269 = tpu.memref_squeeze %dma_start3A_268 : memref<1x128xi32, #tpu.memory_space<vmem>> -> memref<128xi32, #tpu.memory_space<vmem>>
      %dma_start3A_270 = tpu.memref_slice %arg2[%add3A_4] : memref<16384xi32, #tpu.memory_space<hbm>> -> memref<128xi32, #tpu.memory_space<hbm>>
      %dma_start3A_271 = arith.constant 0 : i32
      %dma_start3A_272 = tpu.memref_slice %arg8[%run_scoped3A, %dma_start3A_271] : memref<4x128xi32, #tpu.memory_space<vmem>> -> memref<1x128xi32, #tpu.memory_space<vmem>>
      %dma_start3A_273 = tpu.memref_squeeze %dma_start3A_272 : memref<1x128xi32, #tpu.memory_space<vmem>> -> memref<128xi32, #tpu.memory_space<vmem>>
      %dma_start3A_274 = tpu.memref_slice %arg2[%add3A_4] : memref<16384xi32, #tpu.memory_space<hbm>> -> memref<128xi32, #tpu.memory_space<hbm>>
      tpu.enqueue_dma source(%dma_start3A_274 : memref<128xi32, #tpu.memory_space<hbm>>) target(%dma_start3A_273 : memref<128xi32, #tpu.memory_space<vmem>>) target_semaphore(%run_scoped3A_266 : memref<!tpu.dma_semaphore, #tpu.memory_space<semaphore_mem>>)
      %dma_wait3A_275 = arith.constant 0 : i32
      %dma_wait3A_276 = tpu.memref_slice %arg8[%run_scoped3A, %dma_wait3A_275] : memref<4x128xi32, #tpu.memory_space<vmem>> -> memref<1x128xi32, #tpu.memory_space<vmem>>
      %dma_wait3A_277 = tpu.memref_squeeze %dma_wait3A_276 : memref<1x128xi32, #tpu.memory_space<vmem>> -> memref<128xi32, #tpu.memory_space<vmem>>
      %dma_wait3A_278 = tpu.memref_slice %arg2[%add3A_4] : memref<16384xi32, #tpu.memory_space<hbm>> -> memref<128xi32, #tpu.memory_space<hbm>>
      %dma_wait3A_279 = arith.constant 0 : i32
      %dma_wait3A_280 = tpu.memref_slice %arg8[%run_scoped3A, %dma_wait3A_279] : memref<4x128xi32, #tpu.memory_space<vmem>> -> memref<1x128xi32, #tpu.memory_space<vmem>>
      %dma_wait3A_281 = tpu.memref_squeeze %dma_wait3A_280 : memref<1x128xi32, #tpu.memory_space<vmem>> -> memref<128xi32, #tpu.memory_space<vmem>>
      %dma_wait3A_282 = tpu.memref_slice %arg2[%add3A_4] : memref<16384xi32, #tpu.memory_space<hbm>> -> memref<128xi32, #tpu.memory_space<hbm>>
      tpu.wait_dma2 semaphore(%run_scoped3A_266 : memref<!tpu.dma_semaphore, #tpu.memory_space<semaphore_mem>>) src(%dma_wait3A_282 : memref<128xi32, #tpu.memory_space<hbm>>) dst(%dma_wait3A_281 : memref<128xi32, #tpu.memory_space<vmem>>)
      tpu.yield
    }) : () -> ()
    %run_scoped3A_5 = arith.constant 0 : i32
    "tpu.region"() ({
      %run_scoped3A_266 = tpu.sem_alloc : memref<!tpu.dma_semaphore, #tpu.memory_space<semaphore_mem>>
      %dma_start3A_267 = arith.constant 0 : i32
      %dma_start3A_268 = tpu.memref_slice %arg9[%run_scoped3A_5, %dma_start3A_267] : memref<4x128xi32, #tpu.memory_space<vmem>> -> memref<1x128xi32, #tpu.memory_space<vmem>>
      %dma_start3A_269 = tpu.memref_squeeze %dma_start3A_268 : memref<1x128xi32, #tpu.memory_space<vmem>> -> memref<128xi32, #tpu.memory_space<vmem>>
      %dma_start3A_270 = tpu.memref_slice %arg3[%add3A_4] : memref<16384xi32, #tpu.memory_space<hbm>> -> memref<128xi32, #tpu.memory_space<hbm>>
      %dma_start3A_271 = arith.constant 0 : i32
      %dma_start3A_272 = tpu.memref_slice %arg9[%run_scoped3A_5, %dma_start3A_271] : memref<4x128xi32, #tpu.memory_space<vmem>> -> memref<1x128xi32, #tpu.memory_space<vmem>>
      %dma_start3A_273 = tpu.memref_squeeze %dma_start3A_272 : memref<1x128xi32, #tpu.memory_space<vmem>> -> memref<128xi32, #tpu.memory_space<vmem>>
      %dma_start3A_274 = tpu.memref_slice %arg3[%add3A_4] : memref<16384xi32, #tpu.memory_space<hbm>> -> memref<128xi32, #tpu.memory_space<hbm>>
      tpu.enqueue_dma source(%dma_start3A_274 : memref<128xi32, #tpu.memory_space<hbm>>) target(%dma_start3A_273 : memref<128xi32, #tpu.memory_space<vmem>>) target_semaphore(%run_scoped3A_266 : memref<!tpu.dma_semaphore, #tpu.memory_space<semaphore_mem>>)
      %dma_wait3A_275 = arith.constant 0 : i32
      %dma_wait3A_276 = tpu.memref_slice %arg9[%run_scoped3A_5, %dma_wait3A_275] : memref<4x128xi32, #tpu.memory_space<vmem>> -> memref<1x128xi32, #tpu.memory_space<vmem>>
      %dma_wait3A_277 = tpu.memref_squeeze %dma_wait3A_276 : memref<1x128xi32, #tpu.memory_space<vmem>> -> memref<128xi32, #tpu.memory_space<vmem>>
      %dma_wait3A_278 = tpu.memref_slice %arg3[%add3A_4] : memref<16384xi32, #tpu.memory_space<hbm>> -> memref<128xi32, #tpu.memory_space<hbm>>
      %dma_wait3A_279 = arith.constant 0 : i32
      %dma_wait3A_280 = tpu.memref_slice %arg9[%run_scoped3A_5, %dma_wait3A_279] : memref<4x128xi32, #tpu.memory_space<vmem>> -> memref<1x128xi32, #tpu.memory_space<vmem>>
      %dma_wait3A_281 = tpu.memref_squeeze %dma_wait3A_280 : memref<1x128xi32, #tpu.memory_space<vmem>> -> memref<128xi32, #tpu.memory_space<vmem>>
      %dma_wait3A_282 = tpu.memref_slice %arg3[%add3A_4] : memref<16384xi32, #tpu.memory_space<hbm>> -> memref<128xi32, #tpu.memory_space<hbm>>
      tpu.wait_dma2 semaphore(%run_scoped3A_266 : memref<!tpu.dma_semaphore, #tpu.memory_space<semaphore_mem>>) src(%dma_wait3A_282 : memref<128xi32, #tpu.memory_space<hbm>>) dst(%dma_wait3A_281 : memref<128xi32, #tpu.memory_space<vmem>>)
      tpu.yield
    }) : () -> ()
    %run_scoped3A_6 = arith.constant 0 : i32
    "tpu.region"() ({
      %run_scoped3A_266 = tpu.sem_alloc : memref<!tpu.dma_semaphore, #tpu.memory_space<semaphore_mem>>
      %dma_start3A_267 = arith.constant 0 : i32
      %dma_start3A_268 = tpu.memref_slice %arg10[%run_scoped3A_6, %dma_start3A_267] : memref<4x128xi32, #tpu.memory_space<vmem>> -> memref<1x128xi32, #tpu.memory_space<vmem>>
      %dma_start3A_269 = tpu.memref_squeeze %dma_start3A_268 : memref<1x128xi32, #tpu.memory_space<vmem>> -> memref<128xi32, #tpu.memory_space<vmem>>
      %dma_start3A_270 = tpu.memref_slice %arg4[%add3A_4] : memref<16384xi32, #tpu.memory_space<hbm>> -> memref<128xi32, #tpu.memory_space<hbm>>
      %dma_start3A_271 = arith.constant 0 : i32
      %dma_start3A_272 = tpu.memref_slice %arg10[%run_scoped3A_6, %dma_start3A_271] : memref<4x128xi32, #tpu.memory_space<vmem>> -> memref<1x128xi32, #tpu.memory_space<vmem>>
      %dma_start3A_273 = tpu.memref_squeeze %dma_start3A_272 : memref<1x128xi32, #tpu.memory_space<vmem>> -> memref<128xi32, #tpu.memory_space<vmem>>
      %dma_start3A_274 = tpu.memref_slice %arg4[%add3A_4] : memref<16384xi32, #tpu.memory_space<hbm>> -> memref<128xi32, #tpu.memory_space<hbm>>
      tpu.enqueue_dma source(%dma_start3A_274 : memref<128xi32, #tpu.memory_space<hbm>>) target(%dma_start3A_273 : memref<128xi32, #tpu.memory_space<vmem>>) target_semaphore(%run_scoped3A_266 : memref<!tpu.dma_semaphore, #tpu.memory_space<semaphore_mem>>)
      %dma_wait3A_275 = arith.constant 0 : i32
      %dma_wait3A_276 = tpu.memref_slice %arg10[%run_scoped3A_6, %dma_wait3A_275] : memref<4x128xi32, #tpu.memory_space<vmem>> -> memref<1x128xi32, #tpu.memory_space<vmem>>
      %dma_wait3A_277 = tpu.memref_squeeze %dma_wait3A_276 : memref<1x128xi32, #tpu.memory_space<vmem>> -> memref<128xi32, #tpu.memory_space<vmem>>
      %dma_wait3A_278 = tpu.memref_slice %arg4[%add3A_4] : memref<16384xi32, #tpu.memory_space<hbm>> -> memref<128xi32, #tpu.memory_space<hbm>>
      %dma_wait3A_279 = arith.constant 0 : i32
      %dma_wait3A_280 = tpu.memref_slice %arg10[%run_scoped3A_6, %dma_wait3A_279] : memref<4x128xi32, #tpu.memory_space<vmem>> -> memref<1x128xi32, #tpu.memory_space<vmem>>
      %dma_wait3A_281 = tpu.memref_squeeze %dma_wait3A_280 : memref<1x128xi32, #tpu.memory_space<vmem>> -> memref<128xi32, #tpu.memory_space<vmem>>
      %dma_wait3A_282 = tpu.memref_slice %arg4[%add3A_4] : memref<16384xi32, #tpu.memory_space<hbm>> -> memref<128xi32, #tpu.memory_space<hbm>>
      tpu.wait_dma2 semaphore(%run_scoped3A_266 : memref<!tpu.dma_semaphore, #tpu.memory_space<semaphore_mem>>) src(%dma_wait3A_282 : memref<128xi32, #tpu.memory_space<hbm>>) dst(%dma_wait3A_281 : memref<128xi32, #tpu.memory_space<vmem>>)
      tpu.yield
    }) : () -> ()
    %add3A_7 = arith.constant 128 : i32
    %add3A_8 = arith.addi %mul3A_2, %add3A_7 : i32
    %run_scoped3A_9 = arith.constant 1 : i32
    "tpu.region"() ({
      %run_scoped3A_266 = tpu.sem_alloc : memref<!tpu.dma_semaphore, #tpu.memory_space<semaphore_mem>>
      %dma_start3A_267 = arith.constant 0 : i32
      %dma_start3A_268 = tpu.memref_slice %arg8[%run_scoped3A_9, %dma_start3A_267] : memref<4x128xi32, #tpu.memory_space<vmem>> -> memref<1x128xi32, #tpu.memory_space<vmem>>
      %dma_start3A_269 = tpu.memref_squeeze %dma_start3A_268 : memref<1x128xi32, #tpu.memory_space<vmem>> -> memref<128xi32, #tpu.memory_space<vmem>>
      %dma_start3A_270 = tpu.memref_slice %arg2[%add3A_8] : memref<16384xi32, #tpu.memory_space<hbm>> -> memref<128xi32, #tpu.memory_space<hbm>>
      %dma_start3A_271 = arith.constant 0 : i32
      %dma_start3A_272 = tpu.memref_slice %arg8[%run_scoped3A_9, %dma_start3A_271] : memref<4x128xi32, #tpu.memory_space<vmem>> -> memref<1x128xi32, #tpu.memory_space<vmem>>
      %dma_start3A_273 = tpu.memref_squeeze %dma_start3A_272 : memref<1x128xi32, #tpu.memory_space<vmem>> -> memref<128xi32, #tpu.memory_space<vmem>>
      %dma_start3A_274 = tpu.memref_slice %arg2[%add3A_8] : memref<16384xi32, #tpu.memory_space<hbm>> -> memref<128xi32, #tpu.memory_space<hbm>>
      tpu.enqueue_dma source(%dma_start3A_274 : memref<128xi32, #tpu.memory_space<hbm>>) target(%dma_start3A_273 : memref<128xi32, #tpu.memory_space<vmem>>) target_semaphore(%run_scoped3A_266 : memref<!tpu.dma_semaphore, #tpu.memory_space<semaphore_mem>>)
      %dma_wait3A_275 = arith.constant 0 : i32
      %dma_wait3A_276 = tpu.memref_slice %arg8[%run_scoped3A_9, %dma_wait3A_275] : memref<4x128xi32, #tpu.memory_space<vmem>> -> memref<1x128xi32, #tpu.memory_space<vmem>>
      %dma_wait3A_277 = tpu.memref_squeeze %dma_wait3A_276 : memref<1x128xi32, #tpu.memory_space<vmem>> -> memref<128xi32, #tpu.memory_space<vmem>>
      %dma_wait3A_278 = tpu.memref_slice %arg2[%add3A_8] : memref<16384xi32, #tpu.memory_space<hbm>> -> memref<128xi32, #tpu.memory_space<hbm>>
      %dma_wait3A_279 = arith.constant 0 : i32
      %dma_wait3A_280 = tpu.memref_slice %arg8[%run_scoped3A_9, %dma_wait3A_279] : memref<4x128xi32, #tpu.memory_space<vmem>> -> memref<1x128xi32, #tpu.memory_space<vmem>>
      %dma_wait3A_281 = tpu.memref_squeeze %dma_wait3A_280 : memref<1x128xi32, #tpu.memory_space<vmem>> -> memref<128xi32, #tpu.memory_space<vmem>>
      %dma_wait3A_282 = tpu.memref_slice %arg2[%add3A_8] : memref<16384xi32, #tpu.memory_space<hbm>> -> memref<128xi32, #tpu.memory_space<hbm>>
      tpu.wait_dma2 semaphore(%run_scoped3A_266 : memref<!tpu.dma_semaphore, #tpu.memory_space<semaphore_mem>>) src(%dma_wait3A_282 : memref<128xi32, #tpu.memory_space<hbm>>) dst(%dma_wait3A_281 : memref<128xi32, #tpu.memory_space<vmem>>)
      tpu.yield
    }) : () -> ()
    %run_scoped3A_10 = arith.constant 1 : i32
    "tpu.region"() ({
      %run_scoped3A_266 = tpu.sem_alloc : memref<!tpu.dma_semaphore, #tpu.memory_space<semaphore_mem>>
      %dma_start3A_267 = arith.constant 0 : i32
      %dma_start3A_268 = tpu.memref_slice %arg9[%run_scoped3A_10, %dma_start3A_267] : memref<4x128xi32, #tpu.memory_space<vmem>> -> memref<1x128xi32, #tpu.memory_space<vmem>>
      %dma_start3A_269 = tpu.memref_squeeze %dma_start3A_268 : memref<1x128xi32, #tpu.memory_space<vmem>> -> memref<128xi32, #tpu.memory_space<vmem>>
      %dma_start3A_270 = tpu.memref_slice %arg3[%add3A_8] : memref<16384xi32, #tpu.memory_space<hbm>> -> memref<128xi32, #tpu.memory_space<hbm>>
      %dma_start3A_271 = arith.constant 0 : i32
      %dma_start3A_272 = tpu.memref_slice %arg9[%run_scoped3A_10, %dma_start3A_271] : memref<4x128xi32, #tpu.memory_space<vmem>> -> memref<1x128xi32, #tpu.memory_space<vmem>>
      %dma_start3A_273 = tpu.memref_squeeze %dma_start3A_272 : memref<1x128xi32, #tpu.memory_space<vmem>> -> memref<128xi32, #tpu.memory_space<vmem>>
      %dma_start3A_274 = tpu.memref_slice %arg3[%add3A_8] : memref<16384xi32, #tpu.memory_space<hbm>> -> memref<128xi32, #tpu.memory_space<hbm>>
      tpu.enqueue_dma source(%dma_start3A_274 : memref<128xi32, #tpu.memory_space<hbm>>) target(%dma_start3A_273 : memref<128xi32, #tpu.memory_space<vmem>>) target_semaphore(%run_scoped3A_266 : memref<!tpu.dma_semaphore, #tpu.memory_space<semaphore_mem>>)
      %dma_wait3A_275 = arith.constant 0 : i32
      %dma_wait3A_276 = tpu.memref_slice %arg9[%run_scoped3A_10, %dma_wait3A_275] : memref<4x128xi32, #tpu.memory_space<vmem>> -> memref<1x128xi32, #tpu.memory_space<vmem>>
      %dma_wait3A_277 = tpu.memref_squeeze %dma_wait3A_276 : memref<1x128xi32, #tpu.memory_space<vmem>> -> memref<128xi32, #tpu.memory_space<vmem>>
      %dma_wait3A_278 = tpu.memref_slice %arg3[%add3A_8] : memref<16384xi32, #tpu.memory_space<hbm>> -> memref<128xi32, #tpu.memory_space<hbm>>
      %dma_wait3A_279 = arith.constant 0 : i32
      %dma_wait3A_280 = tpu.memref_slice %arg9[%run_scoped3A_10, %dma_wait3A_279] : memref<4x128xi32, #tpu.memory_space<vmem>> -> memref<1x128xi32, #tpu.memory_space<vmem>>
      %dma_wait3A_281 = tpu.memref_squeeze %dma_wait3A_280 : memref<1x128xi32, #tpu.memory_space<vmem>> -> memref<128xi32, #tpu.memory_space<vmem>>
      %dma_wait3A_282 = tpu.memref_slice %arg3[%add3A_8] : memref<16384xi32, #tpu.memory_space<hbm>> -> memref<128xi32, #tpu.memory_space<hbm>>
      tpu.wait_dma2 semaphore(%run_scoped3A_266 : memref<!tpu.dma_semaphore, #tpu.memory_space<semaphore_mem>>) src(%dma_wait3A_282 : memref<128xi32, #tpu.memory_space<hbm>>) dst(%dma_wait3A_281 : memref<128xi32, #tpu.memory_space<vmem>>)
      tpu.yield
    }) : () -> ()
    %run_scoped3A_11 = arith.constant 1 : i32
    "tpu.region"() ({
      %run_scoped3A_266 = tpu.sem_alloc : memref<!tpu.dma_semaphore, #tpu.memory_space<semaphore_mem>>
      %dma_start3A_267 = arith.constant 0 : i32
      %dma_start3A_268 = tpu.memref_slice %arg10[%run_scoped3A_11, %dma_start3A_267] : memref<4x128xi32, #tpu.memory_space<vmem>> -> memref<1x128xi32, #tpu.memory_space<vmem>>
      %dma_start3A_269 = tpu.memref_squeeze %dma_start3A_268 : memref<1x128xi32, #tpu.memory_space<vmem>> -> memref<128xi32, #tpu.memory_space<vmem>>
      %dma_start3A_270 = tpu.memref_slice %arg4[%add3A_8] : memref<16384xi32, #tpu.memory_space<hbm>> -> memref<128xi32, #tpu.memory_space<hbm>>
      %dma_start3A_271 = arith.constant 0 : i32
      %dma_start3A_272 = tpu.memref_slice %arg10[%run_scoped3A_11, %dma_start3A_271] : memref<4x128xi32, #tpu.memory_space<vmem>> -> memref<1x128xi32, #tpu.memory_space<vmem>>
      %dma_start3A_273 = tpu.memref_squeeze %dma_start3A_272 : memref<1x128xi32, #tpu.memory_space<vmem>> -> memref<128xi32, #tpu.memory_space<vmem>>
      %dma_start3A_274 = tpu.memref_slice %arg4[%add3A_8] : memref<16384xi32, #tpu.memory_space<hbm>> -> memref<128xi32, #tpu.memory_space<hbm>>
      tpu.enqueue_dma source(%dma_start3A_274 : memref<128xi32, #tpu.memory_space<hbm>>) target(%dma_start3A_273 : memref<128xi32, #tpu.memory_space<vmem>>) target_semaphore(%run_scoped3A_266 : memref<!tpu.dma_semaphore, #tpu.memory_space<semaphore_mem>>)
      %dma_wait3A_275 = arith.constant 0 : i32
      %dma_wait3A_276 = tpu.memref_slice %arg10[%run_scoped3A_11, %dma_wait3A_275] : memref<4x128xi32, #tpu.memory_space<vmem>> -> memref<1x128xi32, #tpu.memory_space<vmem>>
      %dma_wait3A_277 = tpu.memref_squeeze %dma_wait3A_276 : memref<1x128xi32, #tpu.memory_space<vmem>> -> memref<128xi32, #tpu.memory_space<vmem>>
      %dma_wait3A_278 = tpu.memref_slice %arg4[%add3A_8] : memref<16384xi32, #tpu.memory_space<hbm>> -> memref<128xi32, #tpu.memory_space<hbm>>
      %dma_wait3A_279 = arith.constant 0 : i32
      %dma_wait3A_280 = tpu.memref_slice %arg10[%run_scoped3A_11, %dma_wait3A_279] : memref<4x128xi32, #tpu.memory_space<vmem>> -> memref<1x128xi32, #tpu.memory_space<vmem>>
      %dma_wait3A_281 = tpu.memref_squeeze %dma_wait3A_280 : memref<1x128xi32, #tpu.memory_space<vmem>> -> memref<128xi32, #tpu.memory_space<vmem>>
      %dma_wait3A_282 = tpu.memref_slice %arg4[%add3A_8] : memref<16384xi32, #tpu.memory_space<hbm>> -> memref<128xi32, #tpu.memory_space<hbm>>
      tpu.wait_dma2 semaphore(%run_scoped3A_266 : memref<!tpu.dma_semaphore, #tpu.memory_space<semaphore_mem>>) src(%dma_wait3A_282 : memref<128xi32, #tpu.memory_space<hbm>>) dst(%dma_wait3A_281 : memref<128xi32, #tpu.memory_space<vmem>>)
      tpu.yield
    }) : () -> ()
    %add3A_12 = arith.constant 256 : i32
    %add3A_13 = arith.addi %mul3A_2, %add3A_12 : i32
    %run_scoped3A_14 = arith.constant 2 : i32
    "tpu.region"() ({
      %run_scoped3A_266 = tpu.sem_alloc : memref<!tpu.dma_semaphore, #tpu.memory_space<semaphore_mem>>
      %dma_start3A_267 = arith.constant 0 : i32
      %dma_start3A_268 = tpu.memref_slice %arg8[%run_scoped3A_14, %dma_start3A_267] : memref<4x128xi32, #tpu.memory_space<vmem>> -> memref<1x128xi32, #tpu.memory_space<vmem>>
      %dma_start3A_269 = tpu.memref_squeeze %dma_start3A_268 : memref<1x128xi32, #tpu.memory_space<vmem>> -> memref<128xi32, #tpu.memory_space<vmem>>
      %dma_start3A_270 = tpu.memref_slice %arg2[%add3A_13] : memref<16384xi32, #tpu.memory_space<hbm>> -> memref<128xi32, #tpu.memory_space<hbm>>
      %dma_start3A_271 = arith.constant 0 : i32
      %dma_start3A_272 = tpu.memref_slice %arg8[%run_scoped3A_14, %dma_start3A_271] : memref<4x128xi32, #tpu.memory_space<vmem>> -> memref<1x128xi32, #tpu.memory_space<vmem>>
      %dma_start3A_273 = tpu.memref_squeeze %dma_start3A_272 : memref<1x128xi32, #tpu.memory_space<vmem>> -> memref<128xi32, #tpu.memory_space<vmem>>
      %dma_start3A_274 = tpu.memref_slice %arg2[%add3A_13] : memref<16384xi32, #tpu.memory_space<hbm>> -> memref<128xi32, #tpu.memory_space<hbm>>
      tpu.enqueue_dma source(%dma_start3A_274 : memref<128xi32, #tpu.memory_space<hbm>>) target(%dma_start3A_273 : memref<128xi32, #tpu.memory_space<vmem>>) target_semaphore(%run_scoped3A_266 : memref<!tpu.dma_semaphore, #tpu.memory_space<semaphore_mem>>)
      %dma_wait3A_275 = arith.constant 0 : i32
      %dma_wait3A_276 = tpu.memref_slice %arg8[%run_scoped3A_14, %dma_wait3A_275] : memref<4x128xi32, #tpu.memory_space<vmem>> -> memref<1x128xi32, #tpu.memory_space<vmem>>
      %dma_wait3A_277 = tpu.memref_squeeze %dma_wait3A_276 : memref<1x128xi32, #tpu.memory_space<vmem>> -> memref<128xi32, #tpu.memory_space<vmem>>
      %dma_wait3A_278 = tpu.memref_slice %arg2[%add3A_13] : memref<16384xi32, #tpu.memory_space<hbm>> -> memref<128xi32, #tpu.memory_space<hbm>>
      %dma_wait3A_279 = arith.constant 0 : i32
      %dma_wait3A_280 = tpu.memref_slice %arg8[%run_scoped3A_14, %dma_wait3A_279] : memref<4x128xi32, #tpu.memory_space<vmem>> -> memref<1x128xi32, #tpu.memory_space<vmem>>
      %dma_wait3A_281 = tpu.memref_squeeze %dma_wait3A_280 : memref<1x128xi32, #tpu.memory_space<vmem>> -> memref<128xi32, #tpu.memory_space<vmem>>
      %dma_wait3A_282 = tpu.memref_slice %arg2[%add3A_13] : memref<16384xi32, #tpu.memory_space<hbm>> -> memref<128xi32, #tpu.memory_space<hbm>>
      tpu.wait_dma2 semaphore(%run_scoped3A_266 : memref<!tpu.dma_semaphore, #tpu.memory_space<semaphore_mem>>) src(%dma_wait3A_282 : memref<128xi32, #tpu.memory_space<hbm>>) dst(%dma_wait3A_281 : memref<128xi32, #tpu.memory_space<vmem>>)
      tpu.yield
    }) : () -> ()
    %run_scoped3A_15 = arith.constant 2 : i32
    "tpu.region"() ({
      %run_scoped3A_266 = tpu.sem_alloc : memref<!tpu.dma_semaphore, #tpu.memory_space<semaphore_mem>>
      %dma_start3A_267 = arith.constant 0 : i32
      %dma_start3A_268 = tpu.memref_slice %arg9[%run_scoped3A_15, %dma_start3A_267] : memref<4x128xi32, #tpu.memory_space<vmem>> -> memref<1x128xi32, #tpu.memory_space<vmem>>
      %dma_start3A_269 = tpu.memref_squeeze %dma_start3A_268 : memref<1x128xi32, #tpu.memory_space<vmem>> -> memref<128xi32, #tpu.memory_space<vmem>>
      %dma_start3A_270 = tpu.memref_slice %arg3[%add3A_13] : memref<16384xi32, #tpu.memory_space<hbm>> -> memref<128xi32, #tpu.memory_space<hbm>>
      %dma_start3A_271 = arith.constant 0 : i32
      %dma_start3A_272 = tpu.memref_slice %arg9[%run_scoped3A_15, %dma_start3A_271] : memref<4x128xi32, #tpu.memory_space<vmem>> -> memref<1x128xi32, #tpu.memory_space<vmem>>
      %dma_start3A_273 = tpu.memref_squeeze %dma_start3A_272 : memref<1x128xi32, #tpu.memory_space<vmem>> -> memref<128xi32, #tpu.memory_space<vmem>>
      %dma_start3A_274 = tpu.memref_slice %arg3[%add3A_13] : memref<16384xi32, #tpu.memory_space<hbm>> -> memref<128xi32, #tpu.memory_space<hbm>>
      tpu.enqueue_dma source(%dma_start3A_274 : memref<128xi32, #tpu.memory_space<hbm>>) target(%dma_start3A_273 : memref<128xi32, #tpu.memory_space<vmem>>) target_semaphore(%run_scoped3A_266 : memref<!tpu.dma_semaphore, #tpu.memory_space<semaphore_mem>>)
      %dma_wait3A_275 = arith.constant 0 : i32
      %dma_wait3A_276 = tpu.memref_slice %arg9[%run_scoped3A_15, %dma_wait3A_275] : memref<4x128xi32, #tpu.memory_space<vmem>> -> memref<1x128xi32, #tpu.memory_space<vmem>>
      %dma_wait3A_277 = tpu.memref_squeeze %dma_wait3A_276 : memref<1x128xi32, #tpu.memory_space<vmem>> -> memref<128xi32, #tpu.memory_space<vmem>>
      %dma_wait3A_278 = tpu.memref_slice %arg3[%add3A_13] : memref<16384xi32, #tpu.memory_space<hbm>> -> memref<128xi32, #tpu.memory_space<hbm>>
      %dma_wait3A_279 = arith.constant 0 : i32
      %dma_wait3A_280 = tpu.memref_slice %arg9[%run_scoped3A_15, %dma_wait3A_279] : memref<4x128xi32, #tpu.memory_space<vmem>> -> memref<1x128xi32, #tpu.memory_space<vmem>>
      %dma_wait3A_281 = tpu.memref_squeeze %dma_wait3A_280 : memref<1x128xi32, #tpu.memory_space<vmem>> -> memref<128xi32, #tpu.memory_space<vmem>>
      %dma_wait3A_282 = tpu.memref_slice %arg3[%add3A_13] : memref<16384xi32, #tpu.memory_space<hbm>> -> memref<128xi32, #tpu.memory_space<hbm>>
      tpu.wait_dma2 semaphore(%run_scoped3A_266 : memref<!tpu.dma_semaphore, #tpu.memory_space<semaphore_mem>>) src(%dma_wait3A_282 : memref<128xi32, #tpu.memory_space<hbm>>) dst(%dma_wait3A_281 : memref<128xi32, #tpu.memory_space<vmem>>)
      tpu.yield
    }) : () -> ()
    %run_scoped3A_16 = arith.constant 2 : i32
    "tpu.region"() ({
      %run_scoped3A_266 = tpu.sem_alloc : memref<!tpu.dma_semaphore, #tpu.memory_space<semaphore_mem>>
      %dma_start3A_267 = arith.constant 0 : i32
      %dma_start3A_268 = tpu.memref_slice %arg10[%run_scoped3A_16, %dma_start3A_267] : memref<4x128xi32, #tpu.memory_space<vmem>> -> memref<1x128xi32, #tpu.memory_space<vmem>>
      %dma_start3A_269 = tpu.memref_squeeze %dma_start3A_268 : memref<1x128xi32, #tpu.memory_space<vmem>> -> memref<128xi32, #tpu.memory_space<vmem>>
      %dma_start3A_270 = tpu.memref_slice %arg4[%add3A_13] : memref<16384xi32, #tpu.memory_space<hbm>> -> memref<128xi32, #tpu.memory_space<hbm>>
      %dma_start3A_271 = arith.constant 0 : i32
      %dma_start3A_272 = tpu.memref_slice %arg10[%run_scoped3A_16, %dma_start3A_271] : memref<4x128xi32, #tpu.memory_space<vmem>> -> memref<1x128xi32, #tpu.memory_space<vmem>>
      %dma_start3A_273 = tpu.memref_squeeze %dma_start3A_272 : memref<1x128xi32, #tpu.memory_space<vmem>> -> memref<128xi32, #tpu.memory_space<vmem>>
      %dma_start3A_274 = tpu.memref_slice %arg4[%add3A_13] : memref<16384xi32, #tpu.memory_space<hbm>> -> memref<128xi32, #tpu.memory_space<hbm>>
      tpu.enqueue_dma source(%dma_start3A_274 : memref<128xi32, #tpu.memory_space<hbm>>) target(%dma_start3A_273 : memref<128xi32, #tpu.memory_space<vmem>>) target_semaphore(%run_scoped3A_266 : memref<!tpu.dma_semaphore, #tpu.memory_space<semaphore_mem>>)
      %dma_wait3A_275 = arith.constant 0 : i32
      %dma_wait3A_276 = tpu.memref_slice %arg10[%run_scoped3A_16, %dma_wait3A_275] : memref<4x128xi32, #tpu.memory_space<vmem>> -> memref<1x128xi32, #tpu.memory_space<vmem>>
      %dma_wait3A_277 = tpu.memref_squeeze %dma_wait3A_276 : memref<1x128xi32, #tpu.memory_space<vmem>> -> memref<128xi32, #tpu.memory_space<vmem>>
      %dma_wait3A_278 = tpu.memref_slice %arg4[%add3A_13] : memref<16384xi32, #tpu.memory_space<hbm>> -> memref<128xi32, #tpu.memory_space<hbm>>
      %dma_wait3A_279 = arith.constant 0 : i32
      %dma_wait3A_280 = tpu.memref_slice %arg10[%run_scoped3A_16, %dma_wait3A_279] : memref<4x128xi32, #tpu.memory_space<vmem>> -> memref<1x128xi32, #tpu.memory_space<vmem>>
      %dma_wait3A_281 = tpu.memref_squeeze %dma_wait3A_280 : memref<1x128xi32, #tpu.memory_space<vmem>> -> memref<128xi32, #tpu.memory_space<vmem>>
      %dma_wait3A_282 = tpu.memref_slice %arg4[%add3A_13] : memref<16384xi32, #tpu.memory_space<hbm>> -> memref<128xi32, #tpu.memory_space<hbm>>
      tpu.wait_dma2 semaphore(%run_scoped3A_266 : memref<!tpu.dma_semaphore, #tpu.memory_space<semaphore_mem>>) src(%dma_wait3A_282 : memref<128xi32, #tpu.memory_space<hbm>>) dst(%dma_wait3A_281 : memref<128xi32, #tpu.memory_space<vmem>>)
      tpu.yield
    }) : () -> ()
    %add3A_17 = arith.constant 384 : i32
    %add3A_18 = arith.addi %mul3A_2, %add3A_17 : i32
    %run_scoped3A_19 = arith.constant 3 : i32
    "tpu.region"() ({
      %run_scoped3A_266 = tpu.sem_alloc : memref<!tpu.dma_semaphore, #tpu.memory_space<semaphore_mem>>
      %dma_start3A_267 = arith.constant 0 : i32
      %dma_start3A_268 = tpu.memref_slice %arg8[%run_scoped3A_19, %dma_start3A_267] : memref<4x128xi32, #tpu.memory_space<vmem>> -> memref<1x128xi32, #tpu.memory_space<vmem>>
      %dma_start3A_269 = tpu.memref_squeeze %dma_start3A_268 : memref<1x128xi32, #tpu.memory_space<vmem>> -> memref<128xi32, #tpu.memory_space<vmem>>
      %dma_start3A_270 = tpu.memref_slice %arg2[%add3A_18] : memref<16384xi32, #tpu.memory_space<hbm>> -> memref<128xi32, #tpu.memory_space<hbm>>
      %dma_start3A_271 = arith.constant 0 : i32
      %dma_start3A_272 = tpu.memref_slice %arg8[%run_scoped3A_19, %dma_start3A_271] : memref<4x128xi32, #tpu.memory_space<vmem>> -> memref<1x128xi32, #tpu.memory_space<vmem>>
      %dma_start3A_273 = tpu.memref_squeeze %dma_start3A_272 : memref<1x128xi32, #tpu.memory_space<vmem>> -> memref<128xi32, #tpu.memory_space<vmem>>
      %dma_start3A_274 = tpu.memref_slice %arg2[%add3A_18] : memref<16384xi32, #tpu.memory_space<hbm>> -> memref<128xi32, #tpu.memory_space<hbm>>
      tpu.enqueue_dma source(%dma_start3A_274 : memref<128xi32, #tpu.memory_space<hbm>>) target(%dma_start3A_273 : memref<128xi32, #tpu.memory_space<vmem>>) target_semaphore(%run_scoped3A_266 : memref<!tpu.dma_semaphore, #tpu.memory_space<semaphore_mem>>)
      %dma_wait3A_275 = arith.constant 0 : i32
      %dma_wait3A_276 = tpu.memref_slice %arg8[%run_scoped3A_19, %dma_wait3A_275] : memref<4x128xi32, #tpu.memory_space<vmem>> -> memref<1x128xi32, #tpu.memory_space<vmem>>
      %dma_wait3A_277 = tpu.memref_squeeze %dma_wait3A_276 : memref<1x128xi32, #tpu.memory_space<vmem>> -> memref<128xi32, #tpu.memory_space<vmem>>
      %dma_wait3A_278 = tpu.memref_slice %arg2[%add3A_18] : memref<16384xi32, #tpu.memory_space<hbm>> -> memref<128xi32, #tpu.memory_space<hbm>>
      %dma_wait3A_279 = arith.constant 0 : i32
      %dma_wait3A_280 = tpu.memref_slice %arg8[%run_scoped3A_19, %dma_wait3A_279] : memref<4x128xi32, #tpu.memory_space<vmem>> -> memref<1x128xi32, #tpu.memory_space<vmem>>
      %dma_wait3A_281 = tpu.memref_squeeze %dma_wait3A_280 : memref<1x128xi32, #tpu.memory_space<vmem>> -> memref<128xi32, #tpu.memory_space<vmem>>
      %dma_wait3A_282 = tpu.memref_slice %arg2[%add3A_18] : memref<16384xi32, #tpu.memory_space<hbm>> -> memref<128xi32, #tpu.memory_space<hbm>>
      tpu.wait_dma2 semaphore(%run_scoped3A_266 : memref<!tpu.dma_semaphore, #tpu.memory_space<semaphore_mem>>) src(%dma_wait3A_282 : memref<128xi32, #tpu.memory_space<hbm>>) dst(%dma_wait3A_281 : memref<128xi32, #tpu.memory_space<vmem>>)
      tpu.yield
    }) : () -> ()
    %run_scoped3A_20 = arith.constant 3 : i32
    "tpu.region"() ({
      %run_scoped3A_266 = tpu.sem_alloc : memref<!tpu.dma_semaphore, #tpu.memory_space<semaphore_mem>>
      %dma_start3A_267 = arith.constant 0 : i32
      %dma_start3A_268 = tpu.memref_slice %arg9[%run_scoped3A_20, %dma_start3A_267] : memref<4x128xi32, #tpu.memory_space<vmem>> -> memref<1x128xi32, #tpu.memory_space<vmem>>
      %dma_start3A_269 = tpu.memref_squeeze %dma_start3A_268 : memref<1x128xi32, #tpu.memory_space<vmem>> -> memref<128xi32, #tpu.memory_space<vmem>>
      %dma_start3A_270 = tpu.memref_slice %arg3[%add3A_18] : memref<16384xi32, #tpu.memory_space<hbm>> -> memref<128xi32, #tpu.memory_space<hbm>>
      %dma_start3A_271 = arith.constant 0 : i32
      %dma_start3A_272 = tpu.memref_slice %arg9[%run_scoped3A_20, %dma_start3A_271] : memref<4x128xi32, #tpu.memory_space<vmem>> -> memref<1x128xi32, #tpu.memory_space<vmem>>
      %dma_start3A_273 = tpu.memref_squeeze %dma_start3A_272 : memref<1x128xi32, #tpu.memory_space<vmem>> -> memref<128xi32, #tpu.memory_space<vmem>>
      %dma_start3A_274 = tpu.memref_slice %arg3[%add3A_18] : memref<16384xi32, #tpu.memory_space<hbm>> -> memref<128xi32, #tpu.memory_space<hbm>>
      tpu.enqueue_dma source(%dma_start3A_274 : memref<128xi32, #tpu.memory_space<hbm>>) target(%dma_start3A_273 : memref<128xi32, #tpu.memory_space<vmem>>) target_semaphore(%run_scoped3A_266 : memref<!tpu.dma_semaphore, #tpu.memory_space<semaphore_mem>>)
      %dma_wait3A_275 = arith.constant 0 : i32
      %dma_wait3A_276 = tpu.memref_slice %arg9[%run_scoped3A_20, %dma_wait3A_275] : memref<4x128xi32, #tpu.memory_space<vmem>> -> memref<1x128xi32, #tpu.memory_space<vmem>>
      %dma_wait3A_277 = tpu.memref_squeeze %dma_wait3A_276 : memref<1x128xi32, #tpu.memory_space<vmem>> -> memref<128xi32, #tpu.memory_space<vmem>>
      %dma_wait3A_278 = tpu.memref_slice %arg3[%add3A_18] : memref<16384xi32, #tpu.memory_space<hbm>> -> memref<128xi32, #tpu.memory_space<hbm>>
      %dma_wait3A_279 = arith.constant 0 : i32
      %dma_wait3A_280 = tpu.memref_slice %arg9[%run_scoped3A_20, %dma_wait3A_279] : memref<4x128xi32, #tpu.memory_space<vmem>> -> memref<1x128xi32, #tpu.memory_space<vmem>>
      %dma_wait3A_281 = tpu.memref_squeeze %dma_wait3A_280 : memref<1x128xi32, #tpu.memory_space<vmem>> -> memref<128xi32, #tpu.memory_space<vmem>>
      %dma_wait3A_282 = tpu.memref_slice %arg3[%add3A_18] : memref<16384xi32, #tpu.memory_space<hbm>> -> memref<128xi32, #tpu.memory_space<hbm>>
      tpu.wait_dma2 semaphore(%run_scoped3A_266 : memref<!tpu.dma_semaphore, #tpu.memory_space<semaphore_mem>>) src(%dma_wait3A_282 : memref<128xi32, #tpu.memory_space<hbm>>) dst(%dma_wait3A_281 : memref<128xi32, #tpu.memory_space<vmem>>)
      tpu.yield
    }) : () -> ()
    %run_scoped3A_21 = arith.constant 3 : i32
    "tpu.region"() ({
      %run_scoped3A_266 = tpu.sem_alloc : memref<!tpu.dma_semaphore, #tpu.memory_space<semaphore_mem>>
      %dma_start3A_267 = arith.constant 0 : i32
      %dma_start3A_268 = tpu.memref_slice %arg10[%run_scoped3A_21, %dma_start3A_267] : memref<4x128xi32, #tpu.memory_space<vmem>> -> memref<1x128xi32, #tpu.memory_space<vmem>>
      %dma_start3A_269 = tpu.memref_squeeze %dma_start3A_268 : memref<1x128xi32, #tpu.memory_space<vmem>> -> memref<128xi32, #tpu.memory_space<vmem>>
      %dma_start3A_270 = tpu.memref_slice %arg4[%add3A_18] : memref<16384xi32, #tpu.memory_space<hbm>> -> memref<128xi32, #tpu.memory_space<hbm>>
      %dma_start3A_271 = arith.constant 0 : i32
      %dma_start3A_272 = tpu.memref_slice %arg10[%run_scoped3A_21, %dma_start3A_271] : memref<4x128xi32, #tpu.memory_space<vmem>> -> memref<1x128xi32, #tpu.memory_space<vmem>>
      %dma_start3A_273 = tpu.memref_squeeze %dma_start3A_272 : memref<1x128xi32, #tpu.memory_space<vmem>> -> memref<128xi32, #tpu.memory_space<vmem>>
      %dma_start3A_274 = tpu.memref_slice %arg4[%add3A_18] : memref<16384xi32, #tpu.memory_space<hbm>> -> memref<128xi32, #tpu.memory_space<hbm>>
      tpu.enqueue_dma source(%dma_start3A_274 : memref<128xi32, #tpu.memory_space<hbm>>) target(%dma_start3A_273 : memref<128xi32, #tpu.memory_space<vmem>>) target_semaphore(%run_scoped3A_266 : memref<!tpu.dma_semaphore, #tpu.memory_space<semaphore_mem>>)
      %dma_wait3A_275 = arith.constant 0 : i32
      %dma_wait3A_276 = tpu.memref_slice %arg10[%run_scoped3A_21, %dma_wait3A_275] : memref<4x128xi32, #tpu.memory_space<vmem>> -> memref<1x128xi32, #tpu.memory_space<vmem>>
      %dma_wait3A_277 = tpu.memref_squeeze %dma_wait3A_276 : memref<1x128xi32, #tpu.memory_space<vmem>> -> memref<128xi32, #tpu.memory_space<vmem>>
      %dma_wait3A_278 = tpu.memref_slice %arg4[%add3A_18] : memref<16384xi32, #tpu.memory_space<hbm>> -> memref<128xi32, #tpu.memory_space<hbm>>
      %dma_wait3A_279 = arith.constant 0 : i32
      %dma_wait3A_280 = tpu.memref_slice %arg10[%run_scoped3A_21, %dma_wait3A_279] : memref<4x128xi32, #tpu.memory_space<vmem>> -> memref<1x128xi32, #tpu.memory_space<vmem>>
      %dma_wait3A_281 = tpu.memref_squeeze %dma_wait3A_280 : memref<1x128xi32, #tpu.memory_space<vmem>> -> memref<128xi32, #tpu.memory_space<vmem>>
      %dma_wait3A_282 = tpu.memref_slice %arg4[%add3A_18] : memref<16384xi32, #tpu.memory_space<hbm>> -> memref<128xi32, #tpu.memory_space<hbm>>
      tpu.wait_dma2 semaphore(%run_scoped3A_266 : memref<!tpu.dma_semaphore, #tpu.memory_space<semaphore_mem>>) src(%dma_wait3A_282 : memref<128xi32, #tpu.memory_space<hbm>>) dst(%dma_wait3A_281 : memref<128xi32, #tpu.memory_space<vmem>>)
      tpu.yield
    }) : () -> ()
    %dma_start3A = arith.constant 0 : i32
    %dma_start3A_22 = arith.constant 0 : i32
    %dma_start3A_23 = arith.constant 0 : i32
    %dma_start3A_24 = tpu.memref_slice %arg11[%dma_start3A_22, %dma_start3A_23] : memref<512x64xf32, #tpu.memory_space<vmem>> -> memref<128x64xf32, #tpu.memory_space<vmem>>
    %dma_start3A_25 = arith.constant 0 : i32
    %dma_start3A_26 = tpu.memref_slice %arg8[%dma_start3A, %dma_start3A_25] : memref<4x128xi32, #tpu.memory_space<vmem>> -> memref<1x128xi32, #tpu.memory_space<vmem>>
    %dma_start3A_27 = tpu.memref_squeeze %dma_start3A_26 : memref<1x128xi32, #tpu.memory_space<vmem>> -> memref<128xi32, #tpu.memory_space<vmem>>
    %dma_start3A_28 = arith.constant 0 : i32
    %dma_start3A_29 = arith.constant 0 : i32
    %dma_start3A_30 = tpu.memref_slice %arg5[%dma_start3A_28, %dma_start3A_29] : memref<1000000x64xf32, #tpu.memory_space<hbm>> -> memref<1000000x64xf32, #tpu.memory_space<hbm>>
    tpu.enqueue_indirect_dma source(%dma_start3A_30 : memref<1000000x64xf32, #tpu.memory_space<hbm>>) target(%dma_start3A_24 : memref<128x64xf32, #tpu.memory_space<vmem>>) offsets(%dma_start3A_27 : memref<128xi32, #tpu.memory_space<vmem>>) semaphore(%arg16 : memref<!tpu.dma_semaphore, #tpu.memory_space<semaphore_mem>>)
    %dma_start3A_31 = arith.constant 0 : i32
    %dma_start3A_32 = arith.constant 0 : i32
    %dma_start3A_33 = arith.constant 0 : i32
    %dma_start3A_34 = tpu.memref_slice %arg12[%dma_start3A_32, %dma_start3A_33] : memref<512x64xf32, #tpu.memory_space<vmem>> -> memref<128x64xf32, #tpu.memory_space<vmem>>
    %dma_start3A_35 = arith.constant 0 : i32
    %dma_start3A_36 = tpu.memref_slice %arg9[%dma_start3A_31, %dma_start3A_35] : memref<4x128xi32, #tpu.memory_space<vmem>> -> memref<1x128xi32, #tpu.memory_space<vmem>>
    %dma_start3A_37 = tpu.memref_squeeze %dma_start3A_36 : memref<1x128xi32, #tpu.memory_space<vmem>> -> memref<128xi32, #tpu.memory_space<vmem>>
    %dma_start3A_38 = arith.constant 0 : i32
    %dma_start3A_39 = arith.constant 0 : i32
    %dma_start3A_40 = tpu.memref_slice %arg6[%dma_start3A_38, %dma_start3A_39] : memref<1000x64xf32, #tpu.memory_space<hbm>> -> memref<1000x64xf32, #tpu.memory_space<hbm>>
    tpu.enqueue_indirect_dma source(%dma_start3A_40 : memref<1000x64xf32, #tpu.memory_space<hbm>>) target(%dma_start3A_34 : memref<128x64xf32, #tpu.memory_space<vmem>>) offsets(%dma_start3A_37 : memref<128xi32, #tpu.memory_space<vmem>>) semaphore(%arg16 : memref<!tpu.dma_semaphore, #tpu.memory_space<semaphore_mem>>)
    %dma_start3A_41 = arith.constant 0 : i32
    %dma_start3A_42 = arith.constant 0 : i32
    %dma_start3A_43 = arith.constant 0 : i32
    %dma_start3A_44 = tpu.memref_slice %arg13[%dma_start3A_42, %dma_start3A_43] : memref<512x64xf32, #tpu.memory_space<vmem>> -> memref<128x64xf32, #tpu.memory_space<vmem>>
    %dma_start3A_45 = arith.constant 0 : i32
    %dma_start3A_46 = tpu.memref_slice %arg10[%dma_start3A_41, %dma_start3A_45] : memref<4x128xi32, #tpu.memory_space<vmem>> -> memref<1x128xi32, #tpu.memory_space<vmem>>
    %dma_start3A_47 = tpu.memref_squeeze %dma_start3A_46 : memref<1x128xi32, #tpu.memory_space<vmem>> -> memref<128xi32, #tpu.memory_space<vmem>>
    %dma_start3A_48 = arith.constant 0 : i32
    %dma_start3A_49 = arith.constant 0 : i32
    %dma_start3A_50 = tpu.memref_slice %arg5[%dma_start3A_48, %dma_start3A_49] : memref<1000000x64xf32, #tpu.memory_space<hbm>> -> memref<1000000x64xf32, #tpu.memory_space<hbm>>
    tpu.enqueue_indirect_dma source(%dma_start3A_50 : memref<1000000x64xf32, #tpu.memory_space<hbm>>) target(%dma_start3A_44 : memref<128x64xf32, #tpu.memory_space<vmem>>) offsets(%dma_start3A_47 : memref<128xi32, #tpu.memory_space<vmem>>) semaphore(%arg16 : memref<!tpu.dma_semaphore, #tpu.memory_space<semaphore_mem>>)
    %dma_start3A_51 = arith.constant 1 : i32
    %dma_start3A_52 = arith.constant 128 : i32
    %dma_start3A_53 = arith.constant 0 : i32
    %dma_start3A_54 = tpu.memref_slice %arg11[%dma_start3A_52, %dma_start3A_53] : memref<512x64xf32, #tpu.memory_space<vmem>> -> memref<128x64xf32, #tpu.memory_space<vmem>>
    %dma_start3A_55 = arith.constant 0 : i32
    %dma_start3A_56 = tpu.memref_slice %arg8[%dma_start3A_51, %dma_start3A_55] : memref<4x128xi32, #tpu.memory_space<vmem>> -> memref<1x128xi32, #tpu.memory_space<vmem>>
    %dma_start3A_57 = tpu.memref_squeeze %dma_start3A_56 : memref<1x128xi32, #tpu.memory_space<vmem>> -> memref<128xi32, #tpu.memory_space<vmem>>
    %dma_start3A_58 = arith.constant 0 : i32
    %dma_start3A_59 = arith.constant 0 : i32
    %dma_start3A_60 = tpu.memref_slice %arg5[%dma_start3A_58, %dma_start3A_59] : memref<1000000x64xf32, #tpu.memory_space<hbm>> -> memref<1000000x64xf32, #tpu.memory_space<hbm>>
    tpu.enqueue_indirect_dma source(%dma_start3A_60 : memref<1000000x64xf32, #tpu.memory_space<hbm>>) target(%dma_start3A_54 : memref<128x64xf32, #tpu.memory_space<vmem>>) offsets(%dma_start3A_57 : memref<128xi32, #tpu.memory_space<vmem>>) semaphore(%arg16 : memref<!tpu.dma_semaphore, #tpu.memory_space<semaphore_mem>>)
    %dma_start3A_61 = arith.constant 1 : i32
    %dma_start3A_62 = arith.constant 128 : i32
    %dma_start3A_63 = arith.constant 0 : i32
    %dma_start3A_64 = tpu.memref_slice %arg12[%dma_start3A_62, %dma_start3A_63] : memref<512x64xf32, #tpu.memory_space<vmem>> -> memref<128x64xf32, #tpu.memory_space<vmem>>
    %dma_start3A_65 = arith.constant 0 : i32
    %dma_start3A_66 = tpu.memref_slice %arg9[%dma_start3A_61, %dma_start3A_65] : memref<4x128xi32, #tpu.memory_space<vmem>> -> memref<1x128xi32, #tpu.memory_space<vmem>>
    %dma_start3A_67 = tpu.memref_squeeze %dma_start3A_66 : memref<1x128xi32, #tpu.memory_space<vmem>> -> memref<128xi32, #tpu.memory_space<vmem>>
    %dma_start3A_68 = arith.constant 0 : i32
    %dma_start3A_69 = arith.constant 0 : i32
    %dma_start3A_70 = tpu.memref_slice %arg6[%dma_start3A_68, %dma_start3A_69] : memref<1000x64xf32, #tpu.memory_space<hbm>> -> memref<1000x64xf32, #tpu.memory_space<hbm>>
    tpu.enqueue_indirect_dma source(%dma_start3A_70 : memref<1000x64xf32, #tpu.memory_space<hbm>>) target(%dma_start3A_64 : memref<128x64xf32, #tpu.memory_space<vmem>>) offsets(%dma_start3A_67 : memref<128xi32, #tpu.memory_space<vmem>>) semaphore(%arg16 : memref<!tpu.dma_semaphore, #tpu.memory_space<semaphore_mem>>)
    %dma_start3A_71 = arith.constant 1 : i32
    %dma_start3A_72 = arith.constant 128 : i32
    %dma_start3A_73 = arith.constant 0 : i32
    %dma_start3A_74 = tpu.memref_slice %arg13[%dma_start3A_72, %dma_start3A_73] : memref<512x64xf32, #tpu.memory_space<vmem>> -> memref<128x64xf32, #tpu.memory_space<vmem>>
    %dma_start3A_75 = arith.constant 0 : i32
    %dma_start3A_76 = tpu.memref_slice %arg10[%dma_start3A_71, %dma_start3A_75] : memref<4x128xi32, #tpu.memory_space<vmem>> -> memref<1x128xi32, #tpu.memory_space<vmem>>
    %dma_start3A_77 = tpu.memref_squeeze %dma_start3A_76 : memref<1x128xi32, #tpu.memory_space<vmem>> -> memref<128xi32, #tpu.memory_space<vmem>>
    %dma_start3A_78 = arith.constant 0 : i32
    %dma_start3A_79 = arith.constant 0 : i32
    %dma_start3A_80 = tpu.memref_slice %arg5[%dma_start3A_78, %dma_start3A_79] : memref<1000000x64xf32, #tpu.memory_space<hbm>> -> memref<1000000x64xf32, #tpu.memory_space<hbm>>
    tpu.enqueue_indirect_dma source(%dma_start3A_80 : memref<1000000x64xf32, #tpu.memory_space<hbm>>) target(%dma_start3A_74 : memref<128x64xf32, #tpu.memory_space<vmem>>) offsets(%dma_start3A_77 : memref<128xi32, #tpu.memory_space<vmem>>) semaphore(%arg16 : memref<!tpu.dma_semaphore, #tpu.memory_space<semaphore_mem>>)
    %dma_start3A_81 = arith.constant 2 : i32
    %dma_start3A_82 = arith.constant 256 : i32
    %dma_start3A_83 = arith.constant 0 : i32
    %dma_start3A_84 = tpu.memref_slice %arg11[%dma_start3A_82, %dma_start3A_83] : memref<512x64xf32, #tpu.memory_space<vmem>> -> memref<128x64xf32, #tpu.memory_space<vmem>>
    %dma_start3A_85 = arith.constant 0 : i32
    %dma_start3A_86 = tpu.memref_slice %arg8[%dma_start3A_81, %dma_start3A_85] : memref<4x128xi32, #tpu.memory_space<vmem>> -> memref<1x128xi32, #tpu.memory_space<vmem>>
    %dma_start3A_87 = tpu.memref_squeeze %dma_start3A_86 : memref<1x128xi32, #tpu.memory_space<vmem>> -> memref<128xi32, #tpu.memory_space<vmem>>
    %dma_start3A_88 = arith.constant 0 : i32
    %dma_start3A_89 = arith.constant 0 : i32
    %dma_start3A_90 = tpu.memref_slice %arg5[%dma_start3A_88, %dma_start3A_89] : memref<1000000x64xf32, #tpu.memory_space<hbm>> -> memref<1000000x64xf32, #tpu.memory_space<hbm>>
    tpu.enqueue_indirect_dma source(%dma_start3A_90 : memref<1000000x64xf32, #tpu.memory_space<hbm>>) target(%dma_start3A_84 : memref<128x64xf32, #tpu.memory_space<vmem>>) offsets(%dma_start3A_87 : memref<128xi32, #tpu.memory_space<vmem>>) semaphore(%arg16 : memref<!tpu.dma_semaphore, #tpu.memory_space<semaphore_mem>>)
    %dma_start3A_91 = arith.constant 2 : i32
    %dma_start3A_92 = arith.constant 256 : i32
    %dma_start3A_93 = arith.constant 0 : i32
    %dma_start3A_94 = tpu.memref_slice %arg12[%dma_start3A_92, %dma_start3A_93] : memref<512x64xf32, #tpu.memory_space<vmem>> -> memref<128x64xf32, #tpu.memory_space<vmem>>
    %dma_start3A_95 = arith.constant 0 : i32
    %dma_start3A_96 = tpu.memref_slice %arg9[%dma_start3A_91, %dma_start3A_95] : memref<4x128xi32, #tpu.memory_space<vmem>> -> memref<1x128xi32, #tpu.memory_space<vmem>>
    %dma_start3A_97 = tpu.memref_squeeze %dma_start3A_96 : memref<1x128xi32, #tpu.memory_space<vmem>> -> memref<128xi32, #tpu.memory_space<vmem>>
    %dma_start3A_98 = arith.constant 0 : i32
    %dma_start3A_99 = arith.constant 0 : i32
    %dma_start3A_100 = tpu.memref_slice %arg6[%dma_start3A_98, %dma_start3A_99] : memref<1000x64xf32, #tpu.memory_space<hbm>> -> memref<1000x64xf32, #tpu.memory_space<hbm>>
    tpu.enqueue_indirect_dma source(%dma_start3A_100 : memref<1000x64xf32, #tpu.memory_space<hbm>>) target(%dma_start3A_94 : memref<128x64xf32, #tpu.memory_space<vmem>>) offsets(%dma_start3A_97 : memref<128xi32, #tpu.memory_space<vmem>>) semaphore(%arg16 : memref<!tpu.dma_semaphore, #tpu.memory_space<semaphore_mem>>)
    %dma_start3A_101 = arith.constant 2 : i32
    %dma_start3A_102 = arith.constant 256 : i32
    %dma_start3A_103 = arith.constant 0 : i32
    %dma_start3A_104 = tpu.memref_slice %arg13[%dma_start3A_102, %dma_start3A_103] : memref<512x64xf32, #tpu.memory_space<vmem>> -> memref<128x64xf32, #tpu.memory_space<vmem>>
    %dma_start3A_105 = arith.constant 0 : i32
    %dma_start3A_106 = tpu.memref_slice %arg10[%dma_start3A_101, %dma_start3A_105] : memref<4x128xi32, #tpu.memory_space<vmem>> -> memref<1x128xi32, #tpu.memory_space<vmem>>
    %dma_start3A_107 = tpu.memref_squeeze %dma_start3A_106 : memref<1x128xi32, #tpu.memory_space<vmem>> -> memref<128xi32, #tpu.memory_space<vmem>>
    %dma_start3A_108 = arith.constant 0 : i32
    %dma_start3A_109 = arith.constant 0 : i32
    %dma_start3A_110 = tpu.memref_slice %arg5[%dma_start3A_108, %dma_start3A_109] : memref<1000000x64xf32, #tpu.memory_space<hbm>> -> memref<1000000x64xf32, #tpu.memory_space<hbm>>
    tpu.enqueue_indirect_dma source(%dma_start3A_110 : memref<1000000x64xf32, #tpu.memory_space<hbm>>) target(%dma_start3A_104 : memref<128x64xf32, #tpu.memory_space<vmem>>) offsets(%dma_start3A_107 : memref<128xi32, #tpu.memory_space<vmem>>) semaphore(%arg16 : memref<!tpu.dma_semaphore, #tpu.memory_space<semaphore_mem>>)
    %dma_start3A_111 = arith.constant 3 : i32
    %dma_start3A_112 = arith.constant 384 : i32
    %dma_start3A_113 = arith.constant 0 : i32
    %dma_start3A_114 = tpu.memref_slice %arg11[%dma_start3A_112, %dma_start3A_113] : memref<512x64xf32, #tpu.memory_space<vmem>> -> memref<128x64xf32, #tpu.memory_space<vmem>>
    %dma_start3A_115 = arith.constant 0 : i32
    %dma_start3A_116 = tpu.memref_slice %arg8[%dma_start3A_111, %dma_start3A_115] : memref<4x128xi32, #tpu.memory_space<vmem>> -> memref<1x128xi32, #tpu.memory_space<vmem>>
    %dma_start3A_117 = tpu.memref_squeeze %dma_start3A_116 : memref<1x128xi32, #tpu.memory_space<vmem>> -> memref<128xi32, #tpu.memory_space<vmem>>
    %dma_start3A_118 = arith.constant 0 : i32
    %dma_start3A_119 = arith.constant 0 : i32
    %dma_start3A_120 = tpu.memref_slice %arg5[%dma_start3A_118, %dma_start3A_119] : memref<1000000x64xf32, #tpu.memory_space<hbm>> -> memref<1000000x64xf32, #tpu.memory_space<hbm>>
    tpu.enqueue_indirect_dma source(%dma_start3A_120 : memref<1000000x64xf32, #tpu.memory_space<hbm>>) target(%dma_start3A_114 : memref<128x64xf32, #tpu.memory_space<vmem>>) offsets(%dma_start3A_117 : memref<128xi32, #tpu.memory_space<vmem>>) semaphore(%arg16 : memref<!tpu.dma_semaphore, #tpu.memory_space<semaphore_mem>>)
    %dma_start3A_121 = arith.constant 3 : i32
    %dma_start3A_122 = arith.constant 384 : i32
    %dma_start3A_123 = arith.constant 0 : i32
    %dma_start3A_124 = tpu.memref_slice %arg12[%dma_start3A_122, %dma_start3A_123] : memref<512x64xf32, #tpu.memory_space<vmem>> -> memref<128x64xf32, #tpu.memory_space<vmem>>
    %dma_start3A_125 = arith.constant 0 : i32
    %dma_start3A_126 = tpu.memref_slice %arg9[%dma_start3A_121, %dma_start3A_125] : memref<4x128xi32, #tpu.memory_space<vmem>> -> memref<1x128xi32, #tpu.memory_space<vmem>>
    %dma_start3A_127 = tpu.memref_squeeze %dma_start3A_126 : memref<1x128xi32, #tpu.memory_space<vmem>> -> memref<128xi32, #tpu.memory_space<vmem>>
    %dma_start3A_128 = arith.constant 0 : i32
    %dma_start3A_129 = arith.constant 0 : i32
    %dma_start3A_130 = tpu.memref_slice %arg6[%dma_start3A_128, %dma_start3A_129] : memref<1000x64xf32, #tpu.memory_space<hbm>> -> memref<1000x64xf32, #tpu.memory_space<hbm>>
    tpu.enqueue_indirect_dma source(%dma_start3A_130 : memref<1000x64xf32, #tpu.memory_space<hbm>>) target(%dma_start3A_124 : memref<128x64xf32, #tpu.memory_space<vmem>>) offsets(%dma_start3A_127 : memref<128xi32, #tpu.memory_space<vmem>>) semaphore(%arg16 : memref<!tpu.dma_semaphore, #tpu.memory_space<semaphore_mem>>)
    %dma_start3A_131 = arith.constant 3 : i32
    %dma_start3A_132 = arith.constant 384 : i32
    %dma_start3A_133 = arith.constant 0 : i32
    %dma_start3A_134 = tpu.memref_slice %arg13[%dma_start3A_132, %dma_start3A_133] : memref<512x64xf32, #tpu.memory_space<vmem>> -> memref<128x64xf32, #tpu.memory_space<vmem>>
    %dma_start3A_135 = arith.constant 0 : i32
    %dma_start3A_136 = tpu.memref_slice %arg10[%dma_start3A_131, %dma_start3A_135] : memref<4x128xi32, #tpu.memory_space<vmem>> -> memref<1x128xi32, #tpu.memory_space<vmem>>
    %dma_start3A_137 = tpu.memref_squeeze %dma_start3A_136 : memref<1x128xi32, #tpu.memory_space<vmem>> -> memref<128xi32, #tpu.memory_space<vmem>>
    %dma_start3A_138 = arith.constant 0 : i32
    %dma_start3A_139 = arith.constant 0 : i32
    %dma_start3A_140 = tpu.memref_slice %arg5[%dma_start3A_138, %dma_start3A_139] : memref<1000000x64xf32, #tpu.memory_space<hbm>> -> memref<1000000x64xf32, #tpu.memory_space<hbm>>
    tpu.enqueue_indirect_dma source(%dma_start3A_140 : memref<1000000x64xf32, #tpu.memory_space<hbm>>) target(%dma_start3A_134 : memref<128x64xf32, #tpu.memory_space<vmem>>) offsets(%dma_start3A_137 : memref<128xi32, #tpu.memory_space<vmem>>) semaphore(%arg16 : memref<!tpu.dma_semaphore, #tpu.memory_space<semaphore_mem>>)
    %dma_wait3A = arith.constant 0 : i32
    %dma_wait3A_141 = arith.constant 0 : i32
    %dma_wait3A_142 = arith.constant 0 : i32
    %dma_wait3A_143 = tpu.memref_slice %arg11[%dma_wait3A_141, %dma_wait3A_142] : memref<512x64xf32, #tpu.memory_space<vmem>> -> memref<128x64xf32, #tpu.memory_space<vmem>>
    %dma_wait3A_144 = arith.constant 0 : i32
    %dma_wait3A_145 = tpu.memref_slice %arg8[%dma_wait3A, %dma_wait3A_144] : memref<4x128xi32, #tpu.memory_space<vmem>> -> memref<1x128xi32, #tpu.memory_space<vmem>>
    %dma_wait3A_146 = tpu.memref_squeeze %dma_wait3A_145 : memref<1x128xi32, #tpu.memory_space<vmem>> -> memref<128xi32, #tpu.memory_space<vmem>>
    %dma_wait3A_147 = arith.constant 0 : i32
    %dma_wait3A_148 = arith.constant 0 : i32
    %dma_wait3A_149 = tpu.memref_slice %arg5[%dma_wait3A_147, %dma_wait3A_148] : memref<1000000x64xf32, #tpu.memory_space<hbm>> -> memref<1000000x64xf32, #tpu.memory_space<hbm>>
    tpu.wait_indirect_dma semaphore(%arg16 : memref<!tpu.dma_semaphore, #tpu.memory_space<semaphore_mem>>) src(%dma_wait3A_149 : memref<1000000x64xf32, #tpu.memory_space<hbm>>) dst(%dma_wait3A_143 : memref<128x64xf32, #tpu.memory_space<vmem>>)
    %dma_wait3A_150 = arith.constant 0 : i32
    %dma_wait3A_151 = arith.constant 0 : i32
    %dma_wait3A_152 = arith.constant 0 : i32
    %dma_wait3A_153 = tpu.memref_slice %arg12[%dma_wait3A_151, %dma_wait3A_152] : memref<512x64xf32, #tpu.memory_space<vmem>> -> memref<128x64xf32, #tpu.memory_space<vmem>>
    %dma_wait3A_154 = arith.constant 0 : i32
    %dma_wait3A_155 = tpu.memref_slice %arg9[%dma_wait3A_150, %dma_wait3A_154] : memref<4x128xi32, #tpu.memory_space<vmem>> -> memref<1x128xi32, #tpu.memory_space<vmem>>
    %dma_wait3A_156 = tpu.memref_squeeze %dma_wait3A_155 : memref<1x128xi32, #tpu.memory_space<vmem>> -> memref<128xi32, #tpu.memory_space<vmem>>
    %dma_wait3A_157 = arith.constant 0 : i32
    %dma_wait3A_158 = arith.constant 0 : i32
    %dma_wait3A_159 = tpu.memref_slice %arg6[%dma_wait3A_157, %dma_wait3A_158] : memref<1000x64xf32, #tpu.memory_space<hbm>> -> memref<1000x64xf32, #tpu.memory_space<hbm>>
    tpu.wait_indirect_dma semaphore(%arg16 : memref<!tpu.dma_semaphore, #tpu.memory_space<semaphore_mem>>) src(%dma_wait3A_159 : memref<1000x64xf32, #tpu.memory_space<hbm>>) dst(%dma_wait3A_153 : memref<128x64xf32, #tpu.memory_space<vmem>>)
    %dma_wait3A_160 = arith.constant 0 : i32
    %dma_wait3A_161 = arith.constant 0 : i32
    %dma_wait3A_162 = arith.constant 0 : i32
    %dma_wait3A_163 = tpu.memref_slice %arg13[%dma_wait3A_161, %dma_wait3A_162] : memref<512x64xf32, #tpu.memory_space<vmem>> -> memref<128x64xf32, #tpu.memory_space<vmem>>
    %dma_wait3A_164 = arith.constant 0 : i32
    %dma_wait3A_165 = tpu.memref_slice %arg10[%dma_wait3A_160, %dma_wait3A_164] : memref<4x128xi32, #tpu.memory_space<vmem>> -> memref<1x128xi32, #tpu.memory_space<vmem>>
    %dma_wait3A_166 = tpu.memref_squeeze %dma_wait3A_165 : memref<1x128xi32, #tpu.memory_space<vmem>> -> memref<128xi32, #tpu.memory_space<vmem>>
    %dma_wait3A_167 = arith.constant 0 : i32
    %dma_wait3A_168 = arith.constant 0 : i32
    %dma_wait3A_169 = tpu.memref_slice %arg5[%dma_wait3A_167, %dma_wait3A_168] : memref<1000000x64xf32, #tpu.memory_space<hbm>> -> memref<1000000x64xf32, #tpu.memory_space<hbm>>
    tpu.wait_indirect_dma semaphore(%arg16 : memref<!tpu.dma_semaphore, #tpu.memory_space<semaphore_mem>>) src(%dma_wait3A_169 : memref<1000000x64xf32, #tpu.memory_space<hbm>>) dst(%dma_wait3A_163 : memref<128x64xf32, #tpu.memory_space<vmem>>)
    %dma_wait3A_170 = arith.constant 1 : i32
    %dma_wait3A_171 = arith.constant 128 : i32
    %dma_wait3A_172 = arith.constant 0 : i32
    %dma_wait3A_173 = tpu.memref_slice %arg11[%dma_wait3A_171, %dma_wait3A_172] : memref<512x64xf32, #tpu.memory_space<vmem>> -> memref<128x64xf32, #tpu.memory_space<vmem>>
    %dma_wait3A_174 = arith.constant 0 : i32
    %dma_wait3A_175 = tpu.memref_slice %arg8[%dma_wait3A_170, %dma_wait3A_174] : memref<4x128xi32, #tpu.memory_space<vmem>> -> memref<1x128xi32, #tpu.memory_space<vmem>>
    %dma_wait3A_176 = tpu.memref_squeeze %dma_wait3A_175 : memref<1x128xi32, #tpu.memory_space<vmem>> -> memref<128xi32, #tpu.memory_space<vmem>>
    %dma_wait3A_177 = arith.constant 0 : i32
    %dma_wait3A_178 = arith.constant 0 : i32
    %dma_wait3A_179 = tpu.memref_slice %arg5[%dma_wait3A_177, %dma_wait3A_178] : memref<1000000x64xf32, #tpu.memory_space<hbm>> -> memref<1000000x64xf32, #tpu.memory_space<hbm>>
    tpu.wait_indirect_dma semaphore(%arg16 : memref<!tpu.dma_semaphore, #tpu.memory_space<semaphore_mem>>) src(%dma_wait3A_179 : memref<1000000x64xf32, #tpu.memory_space<hbm>>) dst(%dma_wait3A_173 : memref<128x64xf32, #tpu.memory_space<vmem>>)
    %dma_wait3A_180 = arith.constant 1 : i32
    %dma_wait3A_181 = arith.constant 128 : i32
    %dma_wait3A_182 = arith.constant 0 : i32
    %dma_wait3A_183 = tpu.memref_slice %arg12[%dma_wait3A_181, %dma_wait3A_182] : memref<512x64xf32, #tpu.memory_space<vmem>> -> memref<128x64xf32, #tpu.memory_space<vmem>>
    %dma_wait3A_184 = arith.constant 0 : i32
    %dma_wait3A_185 = tpu.memref_slice %arg9[%dma_wait3A_180, %dma_wait3A_184] : memref<4x128xi32, #tpu.memory_space<vmem>> -> memref<1x128xi32, #tpu.memory_space<vmem>>
    %dma_wait3A_186 = tpu.memref_squeeze %dma_wait3A_185 : memref<1x128xi32, #tpu.memory_space<vmem>> -> memref<128xi32, #tpu.memory_space<vmem>>
    %dma_wait3A_187 = arith.constant 0 : i32
    %dma_wait3A_188 = arith.constant 0 : i32
    %dma_wait3A_189 = tpu.memref_slice %arg6[%dma_wait3A_187, %dma_wait3A_188] : memref<1000x64xf32, #tpu.memory_space<hbm>> -> memref<1000x64xf32, #tpu.memory_space<hbm>>
    tpu.wait_indirect_dma semaphore(%arg16 : memref<!tpu.dma_semaphore, #tpu.memory_space<semaphore_mem>>) src(%dma_wait3A_189 : memref<1000x64xf32, #tpu.memory_space<hbm>>) dst(%dma_wait3A_183 : memref<128x64xf32, #tpu.memory_space<vmem>>)
    %dma_wait3A_190 = arith.constant 1 : i32
    %dma_wait3A_191 = arith.constant 128 : i32
    %dma_wait3A_192 = arith.constant 0 : i32
    %dma_wait3A_193 = tpu.memref_slice %arg13[%dma_wait3A_191, %dma_wait3A_192] : memref<512x64xf32, #tpu.memory_space<vmem>> -> memref<128x64xf32, #tpu.memory_space<vmem>>
    %dma_wait3A_194 = arith.constant 0 : i32
    %dma_wait3A_195 = tpu.memref_slice %arg10[%dma_wait3A_190, %dma_wait3A_194] : memref<4x128xi32, #tpu.memory_space<vmem>> -> memref<1x128xi32, #tpu.memory_space<vmem>>
    %dma_wait3A_196 = tpu.memref_squeeze %dma_wait3A_195 : memref<1x128xi32, #tpu.memory_space<vmem>> -> memref<128xi32, #tpu.memory_space<vmem>>
    %dma_wait3A_197 = arith.constant 0 : i32
    %dma_wait3A_198 = arith.constant 0 : i32
    %dma_wait3A_199 = tpu.memref_slice %arg5[%dma_wait3A_197, %dma_wait3A_198] : memref<1000000x64xf32, #tpu.memory_space<hbm>> -> memref<1000000x64xf32, #tpu.memory_space<hbm>>
    tpu.wait_indirect_dma semaphore(%arg16 : memref<!tpu.dma_semaphore, #tpu.memory_space<semaphore_mem>>) src(%dma_wait3A_199 : memref<1000000x64xf32, #tpu.memory_space<hbm>>) dst(%dma_wait3A_193 : memref<128x64xf32, #tpu.memory_space<vmem>>)
    %dma_wait3A_200 = arith.constant 2 : i32
    %dma_wait3A_201 = arith.constant 256 : i32
    %dma_wait3A_202 = arith.constant 0 : i32
    %dma_wait3A_203 = tpu.memref_slice %arg11[%dma_wait3A_201, %dma_wait3A_202] : memref<512x64xf32, #tpu.memory_space<vmem>> -> memref<128x64xf32, #tpu.memory_space<vmem>>
    %dma_wait3A_204 = arith.constant 0 : i32
    %dma_wait3A_205 = tpu.memref_slice %arg8[%dma_wait3A_200, %dma_wait3A_204] : memref<4x128xi32, #tpu.memory_space<vmem>> -> memref<1x128xi32, #tpu.memory_space<vmem>>
    %dma_wait3A_206 = tpu.memref_squeeze %dma_wait3A_205 : memref<1x128xi32, #tpu.memory_space<vmem>> -> memref<128xi32, #tpu.memory_space<vmem>>
    %dma_wait3A_207 = arith.constant 0 : i32
    %dma_wait3A_208 = arith.constant 0 : i32
    %dma_wait3A_209 = tpu.memref_slice %arg5[%dma_wait3A_207, %dma_wait3A_208] : memref<1000000x64xf32, #tpu.memory_space<hbm>> -> memref<1000000x64xf32, #tpu.memory_space<hbm>>
    tpu.wait_indirect_dma semaphore(%arg16 : memref<!tpu.dma_semaphore, #tpu.memory_space<semaphore_mem>>) src(%dma_wait3A_209 : memref<1000000x64xf32, #tpu.memory_space<hbm>>) dst(%dma_wait3A_203 : memref<128x64xf32, #tpu.memory_space<vmem>>)
    %dma_wait3A_210 = arith.constant 2 : i32
    %dma_wait3A_211 = arith.constant 256 : i32
    %dma_wait3A_212 = arith.constant 0 : i32
    %dma_wait3A_213 = tpu.memref_slice %arg12[%dma_wait3A_211, %dma_wait3A_212] : memref<512x64xf32, #tpu.memory_space<vmem>> -> memref<128x64xf32, #tpu.memory_space<vmem>>
    %dma_wait3A_214 = arith.constant 0 : i32
    %dma_wait3A_215 = tpu.memref_slice %arg9[%dma_wait3A_210, %dma_wait3A_214] : memref<4x128xi32, #tpu.memory_space<vmem>> -> memref<1x128xi32, #tpu.memory_space<vmem>>
    %dma_wait3A_216 = tpu.memref_squeeze %dma_wait3A_215 : memref<1x128xi32, #tpu.memory_space<vmem>> -> memref<128xi32, #tpu.memory_space<vmem>>
    %dma_wait3A_217 = arith.constant 0 : i32
    %dma_wait3A_218 = arith.constant 0 : i32
    %dma_wait3A_219 = tpu.memref_slice %arg6[%dma_wait3A_217, %dma_wait3A_218] : memref<1000x64xf32, #tpu.memory_space<hbm>> -> memref<1000x64xf32, #tpu.memory_space<hbm>>
    tpu.wait_indirect_dma semaphore(%arg16 : memref<!tpu.dma_semaphore, #tpu.memory_space<semaphore_mem>>) src(%dma_wait3A_219 : memref<1000x64xf32, #tpu.memory_space<hbm>>) dst(%dma_wait3A_213 : memref<128x64xf32, #tpu.memory_space<vmem>>)
    %dma_wait3A_220 = arith.constant 2 : i32
    %dma_wait3A_221 = arith.constant 256 : i32
    %dma_wait3A_222 = arith.constant 0 : i32
    %dma_wait3A_223 = tpu.memref_slice %arg13[%dma_wait3A_221, %dma_wait3A_222] : memref<512x64xf32, #tpu.memory_space<vmem>> -> memref<128x64xf32, #tpu.memory_space<vmem>>
    %dma_wait3A_224 = arith.constant 0 : i32
    %dma_wait3A_225 = tpu.memref_slice %arg10[%dma_wait3A_220, %dma_wait3A_224] : memref<4x128xi32, #tpu.memory_space<vmem>> -> memref<1x128xi32, #tpu.memory_space<vmem>>
    %dma_wait3A_226 = tpu.memref_squeeze %dma_wait3A_225 : memref<1x128xi32, #tpu.memory_space<vmem>> -> memref<128xi32, #tpu.memory_space<vmem>>
    %dma_wait3A_227 = arith.constant 0 : i32
    %dma_wait3A_228 = arith.constant 0 : i32
    %dma_wait3A_229 = tpu.memref_slice %arg5[%dma_wait3A_227, %dma_wait3A_228] : memref<1000000x64xf32, #tpu.memory_space<hbm>> -> memref<1000000x64xf32, #tpu.memory_space<hbm>>
    tpu.wait_indirect_dma semaphore(%arg16 : memref<!tpu.dma_semaphore, #tpu.memory_space<semaphore_mem>>) src(%dma_wait3A_229 : memref<1000000x64xf32, #tpu.memory_space<hbm>>) dst(%dma_wait3A_223 : memref<128x64xf32, #tpu.memory_space<vmem>>)
    %dma_wait3A_230 = arith.constant 3 : i32
    %dma_wait3A_231 = arith.constant 384 : i32
    %dma_wait3A_232 = arith.constant 0 : i32
    %dma_wait3A_233 = tpu.memref_slice %arg11[%dma_wait3A_231, %dma_wait3A_232] : memref<512x64xf32, #tpu.memory_space<vmem>> -> memref<128x64xf32, #tpu.memory_space<vmem>>
    %dma_wait3A_234 = arith.constant 0 : i32
    %dma_wait3A_235 = tpu.memref_slice %arg8[%dma_wait3A_230, %dma_wait3A_234] : memref<4x128xi32, #tpu.memory_space<vmem>> -> memref<1x128xi32, #tpu.memory_space<vmem>>
    %dma_wait3A_236 = tpu.memref_squeeze %dma_wait3A_235 : memref<1x128xi32, #tpu.memory_space<vmem>> -> memref<128xi32, #tpu.memory_space<vmem>>
    %dma_wait3A_237 = arith.constant 0 : i32
    %dma_wait3A_238 = arith.constant 0 : i32
    %dma_wait3A_239 = tpu.memref_slice %arg5[%dma_wait3A_237, %dma_wait3A_238] : memref<1000000x64xf32, #tpu.memory_space<hbm>> -> memref<1000000x64xf32, #tpu.memory_space<hbm>>
    tpu.wait_indirect_dma semaphore(%arg16 : memref<!tpu.dma_semaphore, #tpu.memory_space<semaphore_mem>>) src(%dma_wait3A_239 : memref<1000000x64xf32, #tpu.memory_space<hbm>>) dst(%dma_wait3A_233 : memref<128x64xf32, #tpu.memory_space<vmem>>)
    %dma_wait3A_240 = arith.constant 3 : i32
    %dma_wait3A_241 = arith.constant 384 : i32
    %dma_wait3A_242 = arith.constant 0 : i32
    %dma_wait3A_243 = tpu.memref_slice %arg12[%dma_wait3A_241, %dma_wait3A_242] : memref<512x64xf32, #tpu.memory_space<vmem>> -> memref<128x64xf32, #tpu.memory_space<vmem>>
    %dma_wait3A_244 = arith.constant 0 : i32
    %dma_wait3A_245 = tpu.memref_slice %arg9[%dma_wait3A_240, %dma_wait3A_244] : memref<4x128xi32, #tpu.memory_space<vmem>> -> memref<1x128xi32, #tpu.memory_space<vmem>>
    %dma_wait3A_246 = tpu.memref_squeeze %dma_wait3A_245 : memref<1x128xi32, #tpu.memory_space<vmem>> -> memref<128xi32, #tpu.memory_space<vmem>>
    %dma_wait3A_247 = arith.constant 0 : i32
    %dma_wait3A_248 = arith.constant 0 : i32
    %dma_wait3A_249 = tpu.memref_slice %arg6[%dma_wait3A_247, %dma_wait3A_248] : memref<1000x64xf32, #tpu.memory_space<hbm>> -> memref<1000x64xf32, #tpu.memory_space<hbm>>
    tpu.wait_indirect_dma semaphore(%arg16 : memref<!tpu.dma_semaphore, #tpu.memory_space<semaphore_mem>>) src(%dma_wait3A_249 : memref<1000x64xf32, #tpu.memory_space<hbm>>) dst(%dma_wait3A_243 : memref<128x64xf32, #tpu.memory_space<vmem>>)
    %dma_wait3A_250 = arith.constant 3 : i32
    %dma_wait3A_251 = arith.constant 384 : i32
    %dma_wait3A_252 = arith.constant 0 : i32
    %dma_wait3A_253 = tpu.memref_slice %arg13[%dma_wait3A_251, %dma_wait3A_252] : memref<512x64xf32, #tpu.memory_space<vmem>> -> memref<128x64xf32, #tpu.memory_space<vmem>>
    %dma_wait3A_254 = arith.constant 0 : i32
    %dma_wait3A_255 = tpu.memref_slice %arg10[%dma_wait3A_250, %dma_wait3A_254] : memref<4x128xi32, #tpu.memory_space<vmem>> -> memref<1x128xi32, #tpu.memory_space<vmem>>
    %dma_wait3A_256 = tpu.memref_squeeze %dma_wait3A_255 : memref<1x128xi32, #tpu.memory_space<vmem>> -> memref<128xi32, #tpu.memory_space<vmem>>
    %dma_wait3A_257 = arith.constant 0 : i32
    %dma_wait3A_258 = arith.constant 0 : i32
    %dma_wait3A_259 = tpu.memref_slice %arg5[%dma_wait3A_257, %dma_wait3A_258] : memref<1000000x64xf32, #tpu.memory_space<hbm>> -> memref<1000000x64xf32, #tpu.memory_space<hbm>>
    tpu.wait_indirect_dma semaphore(%arg16 : memref<!tpu.dma_semaphore, #tpu.memory_space<semaphore_mem>>) src(%dma_wait3A_259 : memref<1000000x64xf32, #tpu.memory_space<hbm>>) dst(%dma_wait3A_253 : memref<128x64xf32, #tpu.memory_space<vmem>>)
    %iota3A = tpu.iota {dimensions = array<i32: 0>} : vector<16xi32>
    %scan3A = arith.constant 0 : i32
    %scan3A_260 = arith.constant 0 : i32
    %scan3A_261 = arith.constant 32 : i32
    %scan3A_262 = arith.addi %scan3A_260, %scan3A_261 : i32
    %scan3A_263 = arith.constant 1 : i32
    %scan3A_264 = scf.for %scan3A_266 = %scan3A_260 to %scan3A_262 step %scan3A_263 iter_args(%scan3A_267 = %scan3A) -> (i32)  : i32 {
      %mul3A_268 = arith.constant 16 : i32
      %mul3A_269 = arith.muli %scan3A_266, %mul3A_268 : i32
      %add3A_270 = arith.constant 0 : i32
      %add3A_271 = arith.addi %mul3A_269, %add3A_270 : i32
      %broadcast_in_dim3A = arith.constant 0.000000e+00 : f32
      %broadcast_in_dim3A_272 = vector.broadcast %broadcast_in_dim3A : f32 to vector<16xf32>
      %get3A = arith.index_cast %add3A_271 : i32 to index
      %get3A_273 = arith.constant 0 : index
      %get3A_274 = tpu.vector_load %arg11[%get3A, %get3A_273] {strides = array<i32>} : memref<512x64xf32, #tpu.memory_space<vmem>>, vector<16xf32>,
      %get3A_275 = arith.index_cast %add3A_271 : i32 to index
      %get3A_276 = arith.constant 0 : index
      %get3A_277 = tpu.vector_load %arg12[%get3A_275, %get3A_276] {strides = array<i32>} : memref<512x64xf32, #tpu.memory_space<vmem>>, vector<16xf32>,
      %add3A_278 = arith.addf %get3A_274, %get3A_277 : vector<16xf32>
      %get3A_279 = arith.index_cast %add3A_271 : i32 to index
      %get3A_280 = arith.constant 0 : index
      %get3A_281 = tpu.vector_load %arg13[%get3A_279, %get3A_280] {strides = array<i32>} : memref<512x64xf32, #tpu.memory_space<vmem>>, vector<16xf32>,
      %sub3A = arith.subf %add3A_278, %get3A_281 : vector<16xf32>
      %mul3A_282 = arith.mulf %sub3A, %sub3A : vector<16xf32>
      %add3A_283 = arith.addf %broadcast_in_dim3A_272, %mul3A_282 : vector<16xf32>
      %get3A_284 = arith.index_cast %add3A_271 : i32 to index
      %get3A_285 = arith.constant 16 : index
      %get3A_286 = tpu.vector_load %arg11[%get3A_284, %get3A_285] {strides = array<i32>} : memref<512x64xf32, #tpu.memory_space<vmem>>, vector<16xf32>,
      %get3A_287 = arith.index_cast %add3A_271 : i32 to index
      %get3A_288 = arith.constant 16 : index
      %get3A_289 = tpu.vector_load %arg12[%get3A_287, %get3A_288] {strides = array<i32>} : memref<512x64xf32, #tpu.memory_space<vmem>>, vector<16xf32>,
      %add3A_290 = arith.addf %get3A_286, %get3A_289 : vector<16xf32>
      %get3A_291 = arith.index_cast %add3A_271 : i32 to index
      %get3A_292 = arith.constant 16 : index
      %get3A_293 = tpu.vector_load %arg13[%get3A_291, %get3A_292] {strides = array<i32>} : memref<512x64xf32, #tpu.memory_space<vmem>>, vector<16xf32>,
      %sub3A_294 = arith.subf %add3A_290, %get3A_293 : vector<16xf32>
      %mul3A_295 = arith.mulf %sub3A_294, %sub3A_294 : vector<16xf32>
      %add3A_296 = arith.addf %add3A_283, %mul3A_295 : vector<16xf32>
      %get3A_297 = arith.index_cast %add3A_271 : i32 to index
      %get3A_298 = arith.constant 32 : index
      %get3A_299 = tpu.vector_load %arg11[%get3A_297, %get3A_298] {strides = array<i32>} : memref<512x64xf32, #tpu.memory_space<vmem>>, vector<16xf32>,
      %get3A_300 = arith.index_cast %add3A_271 : i32 to index
      %get3A_301 = arith.constant 32 : index
      %get3A_302 = tpu.vector_load %arg12[%get3A_300, %get3A_301] {strides = array<i32>} : memref<512x64xf32, #tpu.memory_space<vmem>>, vector<16xf32>,
      %add3A_303 = arith.addf %get3A_299, %get3A_302 : vector<16xf32>
      %get3A_304 = arith.index_cast %add3A_271 : i32 to index
      %get3A_305 = arith.constant 32 : index
      %get3A_306 = tpu.vector_load %arg13[%get3A_304, %get3A_305] {strides = array<i32>} : memref<512x64xf32, #tpu.memory_space<vmem>>, vector<16xf32>,
      %sub3A_307 = arith.subf %add3A_303, %get3A_306 : vector<16xf32>
      %mul3A_308 = arith.mulf %sub3A_307, %sub3A_307 : vector<16xf32>
      %add3A_309 = arith.addf %add3A_296, %mul3A_308 : vector<16xf32>
      %get3A_310 = arith.index_cast %add3A_271 : i32 to index
      %get3A_311 = arith.constant 48 : index
      %get3A_312 = tpu.vector_load %arg11[%get3A_310, %get3A_311] {strides = array<i32>} : memref<512x64xf32, #tpu.memory_space<vmem>>, vector<16xf32>,
      %get3A_313 = arith.index_cast %add3A_271 : i32 to index
      %get3A_314 = arith.constant 48 : index
      %get3A_315 = tpu.vector_load %arg12[%get3A_313, %get3A_314] {strides = array<i32>} : memref<512x64xf32, #tpu.memory_space<vmem>>, vector<16xf32>,
      %add3A_316 = arith.addf %get3A_312, %get3A_315 : vector<16xf32>
      %get3A_317 = arith.index_cast %add3A_271 : i32 to index
      %get3A_318 = arith.constant 48 : index
      %get3A_319 = tpu.vector_load %arg13[%get3A_317, %get3A_318] {strides = array<i32>} : memref<512x64xf32, #tpu.memory_space<vmem>>, vector<16xf32>,
      %sub3A_320 = arith.subf %add3A_316, %get3A_319 : vector<16xf32>
      %mul3A_321 = arith.mulf %sub3A_320, %sub3A_320 : vector<16xf32>
      %add3A_322 = arith.addf %add3A_309, %mul3A_321 : vector<16xf32>
      %swap3A = arith.constant 0 : i32
      %swap3A_323 = arith.index_cast %swap3A : i32 to index
      %swap3A_324 = arith.constant 0 : index
      %swap3A_325 = tpu.vector_load %arg14[%swap3A_323, %swap3A_324] {strides = array<i32>} : memref<16x17xf32, #tpu.memory_space<vmem>>, vector<16xf32>,
      tpu.vector_store %arg14[%swap3A_323, %swap3A_324], %add3A_322 {strides = array<i32>} : memref<16x17xf32, #tpu.memory_space<vmem>>, vector<16xf32>,
      %mul3A_326 = arith.constant 16 : i32
      %mul3A_327 = arith.muli %scan3A_266, %mul3A_326 : i32
      %add3A_328 = arith.constant 1 : i32
      %add3A_329 = arith.addi %mul3A_327, %add3A_328 : i32
      %broadcast_in_dim3A_330 = arith.constant 0.000000e+00 : f32
      %broadcast_in_dim3A_331 = vector.broadcast %broadcast_in_dim3A_330 : f32 to vector<16xf32>
      %get3A_332 = arith.index_cast %add3A_329 : i32 to index
      %get3A_333 = arith.constant 0 : index
      %get3A_334 = tpu.vector_load %arg11[%get3A_332, %get3A_333] {strides = array<i32>} : memref<512x64xf32, #tpu.memory_space<vmem>>, vector<16xf32>,
      %get3A_335 = arith.index_cast %add3A_329 : i32 to index
      %get3A_336 = arith.constant 0 : index
      %get3A_337 = tpu.vector_load %arg12[%get3A_335, %get3A_336] {strides = array<i32>} : memref<512x64xf32, #tpu.memory_space<vmem>>, vector<16xf32>,
      %add3A_338 = arith.addf %get3A_334, %get3A_337 : vector<16xf32>
      %get3A_339 = arith.index_cast %add3A_329 : i32 to index
      %get3A_340 = arith.constant 0 : index
      %get3A_341 = tpu.vector_load %arg13[%get3A_339, %get3A_340] {strides = array<i32>} : memref<512x64xf32, #tpu.memory_space<vmem>>, vector<16xf32>,
      %sub3A_342 = arith.subf %add3A_338, %get3A_341 : vector<16xf32>
      %mul3A_343 = arith.mulf %sub3A_342, %sub3A_342 : vector<16xf32>
      %add3A_344 = arith.addf %broadcast_in_dim3A_331, %mul3A_343 : vector<16xf32>
      %get3A_345 = arith.index_cast %add3A_329 : i32 to index
      %get3A_346 = arith.constant 16 : index
      %get3A_347 = tpu.vector_load %arg11[%get3A_345, %get3A_346] {strides = array<i32>} : memref<512x64xf32, #tpu.memory_space<vmem>>, vector<16xf32>,
      %get3A_348 = arith.index_cast %add3A_329 : i32 to index
      %get3A_349 = arith.constant 16 : index
      %get3A_350 = tpu.vector_load %arg12[%get3A_348, %get3A_349] {strides = array<i32>} : memref<512x64xf32, #tpu.memory_space<vmem>>, vector<16xf32>,
      %add3A_351 = arith.addf %get3A_347, %get3A_350 : vector<16xf32>
      %get3A_352 = arith.index_cast %add3A_329 : i32 to index
      %get3A_353 = arith.constant 16 : index
      %get3A_354 = tpu.vector_load %arg13[%get3A_352, %get3A_353] {strides = array<i32>} : memref<512x64xf32, #tpu.memory_space<vmem>>, vector<16xf32>,
      %sub3A_355 = arith.subf %add3A_351, %get3A_354 : vector<16xf32>
      %mul3A_356 = arith.mulf %sub3A_355, %sub3A_355 : vector<16xf32>
      %add3A_357 = arith.addf %add3A_344, %mul3A_356 : vector<16xf32>
      %get3A_358 = arith.index_cast %add3A_329 : i32 to index
      %get3A_359 = arith.constant 32 : index
      %get3A_360 = tpu.vector_load %arg11[%get3A_358, %get3A_359] {strides = array<i32>} : memref<512x64xf32, #tpu.memory_space<vmem>>, vector<16xf32>,
      %get3A_361 = arith.index_cast %add3A_329 : i32 to index
      %get3A_362 = arith.constant 32 : index
      %get3A_363 = tpu.vector_load %arg12[%get3A_361, %get3A_362] {strides = array<i32>} : memref<512x64xf32, #tpu.memory_space<vmem>>, vector<16xf32>,
      %add3A_364 = arith.addf %get3A_360, %get3A_363 : vector<16xf32>
      %get3A_365 = arith.index_cast %add3A_329 : i32 to index
      %get3A_366 = arith.constant 32 : index
      %get3A_367 = tpu.vector_load %arg13[%get3A_365, %get3A_366] {strides = array<i32>} : memref<512x64xf32, #tpu.memory_space<vmem>>, vector<16xf32>,
      %sub3A_368 = arith.subf %add3A_364, %get3A_367 : vector<16xf32>
      %mul3A_369 = arith.mulf %sub3A_368, %sub3A_368 : vector<16xf32>
      %add3A_370 = arith.addf %add3A_357, %mul3A_369 : vector<16xf32>
      %get3A_371 = arith.index_cast %add3A_329 : i32 to index
      %get3A_372 = arith.constant 48 : index
      %get3A_373 = tpu.vector_load %arg11[%get3A_371, %get3A_372] {strides = array<i32>} : memref<512x64xf32, #tpu.memory_space<vmem>>, vector<16xf32>,
      %get3A_374 = arith.index_cast %add3A_329 : i32 to index
      %get3A_375 = arith.constant 48 : index
      %get3A_376 = tpu.vector_load %arg12[%get3A_374, %get3A_375] {strides = array<i32>} : memref<512x64xf32, #tpu.memory_space<vmem>>, vector<16xf32>,
      %add3A_377 = arith.addf %get3A_373, %get3A_376 : vector<16xf32>
      %get3A_378 = arith.index_cast %add3A_329 : i32 to index
      %get3A_379 = arith.constant 48 : index
      %get3A_380 = tpu.vector_load %arg13[%get3A_378, %get3A_379] {strides = array<i32>} : memref<512x64xf32, #tpu.memory_space<vmem>>, vector<16xf32>,
      %sub3A_381 = arith.subf %add3A_377, %get3A_380 : vector<16xf32>
      %mul3A_382 = arith.mulf %sub3A_381, %sub3A_381 : vector<16xf32>
      %add3A_383 = arith.addf %add3A_370, %mul3A_382 : vector<16xf32>
      %swap3A_384 = arith.constant 1 : i32
      %swap3A_385 = arith.index_cast %swap3A_384 : i32 to index
      %swap3A_386 = arith.constant 0 : index
      %swap3A_387 = tpu.vector_load %arg14[%swap3A_385, %swap3A_386] {strides = array<i32>} : memref<16x17xf32, #tpu.memory_space<vmem>>, vector<16xf32>,
      tpu.vector_store %arg14[%swap3A_385, %swap3A_386], %add3A_383 {strides = array<i32>} : memref<16x17xf32, #tpu.memory_space<vmem>>, vector<16xf32>,
      %mul3A_388 = arith.constant 16 : i32
      %mul3A_389 = arith.muli %scan3A_266, %mul3A_388 : i32
      %add3A_390 = arith.constant 2 : i32
      %add3A_391 = arith.addi %mul3A_389, %add3A_390 : i32
      %broadcast_in_dim3A_392 = arith.constant 0.000000e+00 : f32
      %broadcast_in_dim3A_393 = vector.broadcast %broadcast_in_dim3A_392 : f32 to vector<16xf32>
      %get3A_394 = arith.index_cast %add3A_391 : i32 to index
      %get3A_395 = arith.constant 0 : index
      %get3A_396 = tpu.vector_load %arg11[%get3A_394, %get3A_395] {strides = array<i32>} : memref<512x64xf32, #tpu.memory_space<vmem>>, vector<16xf32>,
      %get3A_397 = arith.index_cast %add3A_391 : i32 to index
      %get3A_398 = arith.constant 0 : index
      %get3A_399 = tpu.vector_load %arg12[%get3A_397, %get3A_398] {strides = array<i32>} : memref<512x64xf32, #tpu.memory_space<vmem>>, vector<16xf32>,
      %add3A_400 = arith.addf %get3A_396, %get3A_399 : vector<16xf32>
      %get3A_401 = arith.index_cast %add3A_391 : i32 to index
      %get3A_402 = arith.constant 0 : index
      %get3A_403 = tpu.vector_load %arg13[%get3A_401, %get3A_402] {strides = array<i32>} : memref<512x64xf32, #tpu.memory_space<vmem>>, vector<16xf32>,
      %sub3A_404 = arith.subf %add3A_400, %get3A_403 : vector<16xf32>
      %mul3A_405 = arith.mulf %sub3A_404, %sub3A_404 : vector<16xf32>
      %add3A_406 = arith.addf %broadcast_in_dim3A_393, %mul3A_405 : vector<16xf32>
      %get3A_407 = arith.index_cast %add3A_391 : i32 to index
      %get3A_408 = arith.constant 16 : index
      %get3A_409 = tpu.vector_load %arg11[%get3A_407, %get3A_408] {strides = array<i32>} : memref<512x64xf32, #tpu.memory_space<vmem>>, vector<16xf32>,
      %get3A_410 = arith.index_cast %add3A_391 : i32 to index
      %get3A_411 = arith.constant 16 : index
      %get3A_412 = tpu.vector_load %arg12[%get3A_410, %get3A_411] {strides = array<i32>} : memref<512x64xf32, #tpu.memory_space<vmem>>, vector<16xf32>,
      %add3A_413 = arith.addf %get3A_409, %get3A_412 : vector<16xf32>
      %get3A_414 = arith.index_cast %add3A_391 : i32 to index
      %get3A_415 = arith.constant 16 : index
      %get3A_416 = tpu.vector_load %arg13[%get3A_414, %get3A_415] {strides = array<i32>} : memref<512x64xf32, #tpu.memory_space<vmem>>, vector<16xf32>,
      %sub3A_417 = arith.subf %add3A_413, %get3A_416 : vector<16xf32>
      %mul3A_418 = arith.mulf %sub3A_417, %sub3A_417 : vector<16xf32>
      %add3A_419 = arith.addf %add3A_406, %mul3A_418 : vector<16xf32>
      %get3A_420 = arith.index_cast %add3A_391 : i32 to index
      %get3A_421 = arith.constant 32 : index
      %get3A_422 = tpu.vector_load %arg11[%get3A_420, %get3A_421] {strides = array<i32>} : memref<512x64xf32, #tpu.memory_space<vmem>>, vector<16xf32>,
      %get3A_423 = arith.index_cast %add3A_391 : i32 to index
      %get3A_424 = arith.constant 32 : index
      %get3A_425 = tpu.vector_load %arg12[%get3A_423, %get3A_424] {strides = array<i32>} : memref<512x64xf32, #tpu.memory_space<vmem>>, vector<16xf32>,
      %add3A_426 = arith.addf %get3A_422, %get3A_425 : vector<16xf32>
      %get3A_427 = arith.index_cast %add3A_391 : i32 to index
      %get3A_428 = arith.constant 32 : index
      %get3A_429 = tpu.vector_load %arg13[%get3A_427, %get3A_428] {strides = array<i32>} : memref<512x64xf32, #tpu.memory_space<vmem>>, vector<16xf32>,
      %sub3A_430 = arith.subf %add3A_426, %get3A_429 : vector<16xf32>
      %mul3A_431 = arith.mulf %sub3A_430, %sub3A_430 : vector<16xf32>
      %add3A_432 = arith.addf %add3A_419, %mul3A_431 : vector<16xf32>
      %get3A_433 = arith.index_cast %add3A_391 : i32 to index
      %get3A_434 = arith.constant 48 : index
      %get3A_435 = tpu.vector_load %arg11[%get3A_433, %get3A_434] {strides = array<i32>} : memref<512x64xf32, #tpu.memory_space<vmem>>, vector<16xf32>,
      %get3A_436 = arith.index_cast %add3A_391 : i32 to index
      %get3A_437 = arith.constant 48 : index
      %get3A_438 = tpu.vector_load %arg12[%get3A_436, %get3A_437] {strides = array<i32>} : memref<512x64xf32, #tpu.memory_space<vmem>>, vector<16xf32>,
      %add3A_439 = arith.addf %get3A_435, %get3A_438 : vector<16xf32>
      %get3A_440 = arith.index_cast %add3A_391 : i32 to index
      %get3A_441 = arith.constant 48 : index
      %get3A_442 = tpu.vector_load %arg13[%get3A_440, %get3A_441] {strides = array<i32>} : memref<512x64xf32, #tpu.memory_space<vmem>>, vector<16xf32>,
      %sub3A_443 = arith.subf %add3A_439, %get3A_442 : vector<16xf32>
      %mul3A_444 = arith.mulf %sub3A_443, %sub3A_443 : vector<16xf32>
      %add3A_445 = arith.addf %add3A_432, %mul3A_444 : vector<16xf32>
      %swap3A_446 = arith.constant 2 : i32
      %swap3A_447 = arith.index_cast %swap3A_446 : i32 to index
      %swap3A_448 = arith.constant 0 : index
      %swap3A_449 = tpu.vector_load %arg14[%swap3A_447, %swap3A_448] {strides = array<i32>} : memref<16x17xf32, #tpu.memory_space<vmem>>, vector<16xf32>,
      tpu.vector_store %arg14[%swap3A_447, %swap3A_448], %add3A_445 {strides = array<i32>} : memref<16x17xf32, #tpu.memory_space<vmem>>, vector<16xf32>,
      %mul3A_450 = arith.constant 16 : i32
      %mul3A_451 = arith.muli %scan3A_266, %mul3A_450 : i32
      %add3A_452 = arith.constant 3 : i32
      %add3A_453 = arith.addi %mul3A_451, %add3A_452 : i32
      %broadcast_in_dim3A_454 = arith.constant 0.000000e+00 : f32
      %broadcast_in_dim3A_455 = vector.broadcast %broadcast_in_dim3A_454 : f32 to vector<16xf32>
      %get3A_456 = arith.index_cast %add3A_453 : i32 to index
      %get3A_457 = arith.constant 0 : index
      %get3A_458 = tpu.vector_load %arg11[%get3A_456, %get3A_457] {strides = array<i32>} : memref<512x64xf32, #tpu.memory_space<vmem>>, vector<16xf32>,
      %get3A_459 = arith.index_cast %add3A_453 : i32 to index
      %get3A_460 = arith.constant 0 : index
      %get3A_461 = tpu.vector_load %arg12[%get3A_459, %get3A_460] {strides = array<i32>} : memref<512x64xf32, #tpu.memory_space<vmem>>, vector<16xf32>,
      %add3A_462 = arith.addf %get3A_458, %get3A_461 : vector<16xf32>
      %get3A_463 = arith.index_cast %add3A_453 : i32 to index
      %get3A_464 = arith.constant 0 : index
      %get3A_465 = tpu.vector_load %arg13[%get3A_463, %get3A_464] {strides = array<i32>} : memref<512x64xf32, #tpu.memory_space<vmem>>, vector<16xf32>,
      %sub3A_466 = arith.subf %add3A_462, %get3A_465 : vector<16xf32>
      %mul3A_467 = arith.mulf %sub3A_466, %sub3A_466 : vector<16xf32>
      %add3A_468 = arith.addf %broadcast_in_dim3A_455, %mul3A_467 : vector<16xf32>
      %get3A_469 = arith.index_cast %add3A_453 : i32 to index
      %get3A_470 = arith.constant 16 : index
      %get3A_471 = tpu.vector_load %arg11[%get3A_469, %get3A_470] {strides = array<i32>} : memref<512x64xf32, #tpu.memory_space<vmem>>, vector<16xf32>,
      %get3A_472 = arith.index_cast %add3A_453 : i32 to index
      %get3A_473 = arith.constant 16 : index
      %get3A_474 = tpu.vector_load %arg12[%get3A_472, %get3A_473] {strides = array<i32>} : memref<512x64xf32, #tpu.memory_space<vmem>>, vector<16xf32>,
      %add3A_475 = arith.addf %get3A_471, %get3A_474 : vector<16xf32>
      %get3A_476 = arith.index_cast %add3A_453 : i32 to index
      %get3A_477 = arith.constant 16 : index
      %get3A_478 = tpu.vector_load %arg13[%get3A_476, %get3A_477] {strides = array<i32>} : memref<512x64xf32, #tpu.memory_space<vmem>>, vector<16xf32>,
      %sub3A_479 = arith.subf %add3A_475, %get3A_478 : vector<16xf32>
      %mul3A_480 = arith.mulf %sub3A_479, %sub3A_479 : vector<16xf32>
      %add3A_481 = arith.addf %add3A_468, %mul3A_480 : vector<16xf32>
      %get3A_482 = arith.index_cast %add3A_453 : i32 to index
      %get3A_483 = arith.constant 32 : index
      %get3A_484 = tpu.vector_load %arg11[%get3A_482, %get3A_483] {strides = array<i32>} : memref<512x64xf32, #tpu.memory_space<vmem>>, vector<16xf32>,
      %get3A_485 = arith.index_cast %add3A_453 : i32 to index
      %get3A_486 = arith.constant 32 : index
      %get3A_487 = tpu.vector_load %arg12[%get3A_485, %get3A_486] {strides = array<i32>} : memref<512x64xf32, #tpu.memory_space<vmem>>, vector<16xf32>,
      %add3A_488 = arith.addf %get3A_484, %get3A_487 : vector<16xf32>
      %get3A_489 = arith.index_cast %add3A_453 : i32 to index
      %get3A_490 = arith.constant 32 : index
      %get3A_491 = tpu.vector_load %arg13[%get3A_489, %get3A_490] {strides = array<i32>} : memref<512x64xf32, #tpu.memory_space<vmem>>, vector<16xf32>,
      %sub3A_492 = arith.subf %add3A_488, %get3A_491 : vector<16xf32>
      %mul3A_493 = arith.mulf %sub3A_492, %sub3A_492 : vector<16xf32>
      %add3A_494 = arith.addf %add3A_481, %mul3A_493 : vector<16xf32>
      %get3A_495 = arith.index_cast %add3A_453 : i32 to index
      %get3A_496 = arith.constant 48 : index
      %get3A_497 = tpu.vector_load %arg11[%get3A_495, %get3A_496] {strides = array<i32>} : memref<512x64xf32, #tpu.memory_space<vmem>>, vector<16xf32>,
      %get3A_498 = arith.index_cast %add3A_453 : i32 to index
      %get3A_499 = arith.constant 48 : index
      %get3A_500 = tpu.vector_load %arg12[%get3A_498, %get3A_499] {strides = array<i32>} : memref<512x64xf32, #tpu.memory_space<vmem>>, vector<16xf32>,
      %add3A_501 = arith.addf %get3A_497, %get3A_500 : vector<16xf32>
      %get3A_502 = arith.index_cast %add3A_453 : i32 to index
      %get3A_503 = arith.constant 48 : index
      %get3A_504 = tpu.vector_load %arg13[%get3A_502, %get3A_503] {strides = array<i32>} : memref<512x64xf32, #tpu.memory_space<vmem>>, vector<16xf32>,
      %sub3A_505 = arith.subf %add3A_501, %get3A_504 : vector<16xf32>
      %mul3A_506 = arith.mulf %sub3A_505, %sub3A_505 : vector<16xf32>
      %add3A_507 = arith.addf %add3A_494, %mul3A_506 : vector<16xf32>
      %swap3A_508 = arith.constant 3 : i32
      %swap3A_509 = arith.index_cast %swap3A_508 : i32 to index
      %swap3A_510 = arith.constant 0 : index
      %swap3A_511 = tpu.vector_load %arg14[%swap3A_509, %swap3A_510] {strides = array<i32>} : memref<16x17xf32, #tpu.memory_space<vmem>>, vector<16xf32>,
      tpu.vector_store %arg14[%swap3A_509, %swap3A_510], %add3A_507 {strides = array<i32>} : memref<16x17xf32, #tpu.memory_space<vmem>>, vector<16xf32>,
      %mul3A_512 = arith.constant 16 : i32
      %mul3A_513 = arith.muli %scan3A_266, %mul3A_512 : i32
      %add3A_514 = arith.constant 4 : i32
      %add3A_515 = arith.addi %mul3A_513, %add3A_514 : i32
      %broadcast_in_dim3A_516 = arith.constant 0.000000e+00 : f32
      %broadcast_in_dim3A_517 = vector.broadcast %broadcast_in_dim3A_516 : f32 to vector<16xf32>
      %get3A_518 = arith.index_cast %add3A_515 : i32 to index
      %get3A_519 = arith.constant 0 : index
      %get3A_520 = tpu.vector_load %arg11[%get3A_518, %get3A_519] {strides = array<i32>} : memref<512x64xf32, #tpu.memory_space<vmem>>, vector<16xf32>,
      %get3A_521 = arith.index_cast %add3A_515 : i32 to index
      %get3A_522 = arith.constant 0 : index
      %get3A_523 = tpu.vector_load %arg12[%get3A_521, %get3A_522] {strides = array<i32>} : memref<512x64xf32, #tpu.memory_space<vmem>>, vector<16xf32>,
      %add3A_524 = arith.addf %get3A_520, %get3A_523 : vector<16xf32>
      %get3A_525 = arith.index_cast %add3A_515 : i32 to index
      %get3A_526 = arith.constant 0 : index
      %get3A_527 = tpu.vector_load %arg13[%get3A_525, %get3A_526] {strides = array<i32>} : memref<512x64xf32, #tpu.memory_space<vmem>>, vector<16xf32>,
      %sub3A_528 = arith.subf %add3A_524, %get3A_527 : vector<16xf32>
      %mul3A_529 = arith.mulf %sub3A_528, %sub3A_528 : vector<16xf32>
      %add3A_530 = arith.addf %broadcast_in_dim3A_517, %mul3A_529 : vector<16xf32>
      %get3A_531 = arith.index_cast %add3A_515 : i32 to index
      %get3A_532 = arith.constant 16 : index
      %get3A_533 = tpu.vector_load %arg11[%get3A_531, %get3A_532] {strides = array<i32>} : memref<512x64xf32, #tpu.memory_space<vmem>>, vector<16xf32>,
      %get3A_534 = arith.index_cast %add3A_515 : i32 to index
      %get3A_535 = arith.constant 16 : index
      %get3A_536 = tpu.vector_load %arg12[%get3A_534, %get3A_535] {strides = array<i32>} : memref<512x64xf32, #tpu.memory_space<vmem>>, vector<16xf32>,
      %add3A_537 = arith.addf %get3A_533, %get3A_536 : vector<16xf32>
      %get3A_538 = arith.index_cast %add3A_515 : i32 to index
      %get3A_539 = arith.constant 16 : index
      %get3A_540 = tpu.vector_load %arg13[%get3A_538, %get3A_539] {strides = array<i32>} : memref<512x64xf32, #tpu.memory_space<vmem>>, vector<16xf32>,
      %sub3A_541 = arith.subf %add3A_537, %get3A_540 : vector<16xf32>
      %mul3A_542 = arith.mulf %sub3A_541, %sub3A_541 : vector<16xf32>
      %add3A_543 = arith.addf %add3A_530, %mul3A_542 : vector<16xf32>
      %get3A_544 = arith.index_cast %add3A_515 : i32 to index
      %get3A_545 = arith.constant 32 : index
      %get3A_546 = tpu.vector_load %arg11[%get3A_544, %get3A_545] {strides = array<i32>} : memref<512x64xf32, #tpu.memory_space<vmem>>, vector<16xf32>,
      %get3A_547 = arith.index_cast %add3A_515 : i32 to index
      %get3A_548 = arith.constant 32 : index
      %get3A_549 = tpu.vector_load %arg12[%get3A_547, %get3A_548] {strides = array<i32>} : memref<512x64xf32, #tpu.memory_space<vmem>>, vector<16xf32>,
      %add3A_550 = arith.addf %get3A_546, %get3A_549 : vector<16xf32>
      %get3A_551 = arith.index_cast %add3A_515 : i32 to index
      %get3A_552 = arith.constant 32 : index
      %get3A_553 = tpu.vector_load %arg13[%get3A_551, %get3A_552] {strides = array<i32>} : memref<512x64xf32, #tpu.memory_space<vmem>>, vector<16xf32>,
      %sub3A_554 = arith.subf %add3A_550, %get3A_553 : vector<16xf32>
      %mul3A_555 = arith.mulf %sub3A_554, %sub3A_554 : vector<16xf32>
      %add3A_556 = arith.addf %add3A_543, %mul3A_555 : vector<16xf32>
      %get3A_557 = arith.index_cast %add3A_515 : i32 to index
      %get3A_558 = arith.constant 48 : index
      %get3A_559 = tpu.vector_load %arg11[%get3A_557, %get3A_558] {strides = array<i32>} : memref<512x64xf32, #tpu.memory_space<vmem>>, vector<16xf32>,
      %get3A_560 = arith.index_cast %add3A_515 : i32 to index
      %get3A_561 = arith.constant 48 : index
      %get3A_562 = tpu.vector_load %arg12[%get3A_560, %get3A_561] {strides = array<i32>} : memref<512x64xf32, #tpu.memory_space<vmem>>, vector<16xf32>,
      %add3A_563 = arith.addf %get3A_559, %get3A_562 : vector<16xf32>
      %get3A_564 = arith.index_cast %add3A_515 : i32 to index
      %get3A_565 = arith.constant 48 : index
      %get3A_566 = tpu.vector_load %arg13[%get3A_564, %get3A_565] {strides = array<i32>} : memref<512x64xf32, #tpu.memory_space<vmem>>, vector<16xf32>,
      %sub3A_567 = arith.subf %add3A_563, %get3A_566 : vector<16xf32>
      %mul3A_568 = arith.mulf %sub3A_567, %sub3A_567 : vector<16xf32>
      %add3A_569 = arith.addf %add3A_556, %mul3A_568 : vector<16xf32>
      %swap3A_570 = arith.constant 4 : i32
      %swap3A_571 = arith.index_cast %swap3A_570 : i32 to index
      %swap3A_572 = arith.constant 0 : index
      %swap3A_573 = tpu.vector_load %arg14[%swap3A_571, %swap3A_572] {strides = array<i32>} : memref<16x17xf32, #tpu.memory_space<vmem>>, vector<16xf32>,
      tpu.vector_store %arg14[%swap3A_571, %swap3A_572], %add3A_569 {strides = array<i32>} : memref<16x17xf32, #tpu.memory_space<vmem>>, vector<16xf32>,
      %mul3A_574 = arith.constant 16 : i32
      %mul3A_575 = arith.muli %scan3A_266, %mul3A_574 : i32
      %add3A_576 = arith.constant 5 : i32
      %add3A_577 = arith.addi %mul3A_575, %add3A_576 : i32
      %broadcast_in_dim3A_578 = arith.constant 0.000000e+00 : f32
      %broadcast_in_dim3A_579 = vector.broadcast %broadcast_in_dim3A_578 : f32 to vector<16xf32>
      %get3A_580 = arith.index_cast %add3A_577 : i32 to index
      %get3A_581 = arith.constant 0 : index
      %get3A_582 = tpu.vector_load %arg11[%get3A_580, %get3A_581] {strides = array<i32>} : memref<512x64xf32, #tpu.memory_space<vmem>>, vector<16xf32>,
      %get3A_583 = arith.index_cast %add3A_577 : i32 to index
      %get3A_584 = arith.constant 0 : index
      %get3A_585 = tpu.vector_load %arg12[%get3A_583, %get3A_584] {strides = array<i32>} : memref<512x64xf32, #tpu.memory_space<vmem>>, vector<16xf32>,
      %add3A_586 = arith.addf %get3A_582, %get3A_585 : vector<16xf32>
      %get3A_587 = arith.index_cast %add3A_577 : i32 to index
      %get3A_588 = arith.constant 0 : index
      %get3A_589 = tpu.vector_load %arg13[%get3A_587, %get3A_588] {strides = array<i32>} : memref<512x64xf32, #tpu.memory_space<vmem>>, vector<16xf32>,
      %sub3A_590 = arith.subf %add3A_586, %get3A_589 : vector<16xf32>
      %mul3A_591 = arith.mulf %sub3A_590, %sub3A_590 : vector<16xf32>
      %add3A_592 = arith.addf %broadcast_in_dim3A_579, %mul3A_591 : vector<16xf32>
      %get3A_593 = arith.index_cast %add3A_577 : i32 to index
      %get3A_594 = arith.constant 16 : index
      %get3A_595 = tpu.vector_load %arg11[%get3A_593, %get3A_594] {strides = array<i32>} : memref<512x64xf32, #tpu.memory_space<vmem>>, vector<16xf32>,
      %get3A_596 = arith.index_cast %add3A_577 : i32 to index
      %get3A_597 = arith.constant 16 : index
      %get3A_598 = tpu.vector_load %arg12[%get3A_596, %get3A_597] {strides = array<i32>} : memref<512x64xf32, #tpu.memory_space<vmem>>, vector<16xf32>,
      %add3A_599 = arith.addf %get3A_595, %get3A_598 : vector<16xf32>
      %get3A_600 = arith.index_cast %add3A_577 : i32 to index
      %get3A_601 = arith.constant 16 : index
      %get3A_602 = tpu.vector_load %arg13[%get3A_600, %get3A_601] {strides = array<i32>} : memref<512x64xf32, #tpu.memory_space<vmem>>, vector<16xf32>,
      %sub3A_603 = arith.subf %add3A_599, %get3A_602 : vector<16xf32>
      %mul3A_604 = arith.mulf %sub3A_603, %sub3A_603 : vector<16xf32>
      %add3A_605 = arith.addf %add3A_592, %mul3A_604 : vector<16xf32>
      %get3A_606 = arith.index_cast %add3A_577 : i32 to index
      %get3A_607 = arith.constant 32 : index
      %get3A_608 = tpu.vector_load %arg11[%get3A_606, %get3A_607] {strides = array<i32>} : memref<512x64xf32, #tpu.memory_space<vmem>>, vector<16xf32>,
      %get3A_609 = arith.index_cast %add3A_577 : i32 to index
      %get3A_610 = arith.constant 32 : index
      %get3A_611 = tpu.vector_load %arg12[%get3A_609, %get3A_610] {strides = array<i32>} : memref<512x64xf32, #tpu.memory_space<vmem>>, vector<16xf32>,
      %add3A_612 = arith.addf %get3A_608, %get3A_611 : vector<16xf32>
      %get3A_613 = arith.index_cast %add3A_577 : i32 to index
      %get3A_614 = arith.constant 32 : index
      %get3A_615 = tpu.vector_load %arg13[%get3A_613, %get3A_614] {strides = array<i32>} : memref<512x64xf32, #tpu.memory_space<vmem>>, vector<16xf32>,
      %sub3A_616 = arith.subf %add3A_612, %get3A_615 : vector<16xf32>
      %mul3A_617 = arith.mulf %sub3A_616, %sub3A_616 : vector<16xf32>
      %add3A_618 = arith.addf %add3A_605, %mul3A_617 : vector<16xf32>
      %get3A_619 = arith.index_cast %add3A_577 : i32 to index
      %get3A_620 = arith.constant 48 : index
      %get3A_621 = tpu.vector_load %arg11[%get3A_619, %get3A_620] {strides = array<i32>} : memref<512x64xf32, #tpu.memory_space<vmem>>, vector<16xf32>,
      %get3A_622 = arith.index_cast %add3A_577 : i32 to index
      %get3A_623 = arith.constant 48 : index
      %get3A_624 = tpu.vector_load %arg12[%get3A_622, %get3A_623] {strides = array<i32>} : memref<512x64xf32, #tpu.memory_space<vmem>>, vector<16xf32>,
      %add3A_625 = arith.addf %get3A_621, %get3A_624 : vector<16xf32>
      %get3A_626 = arith.index_cast %add3A_577 : i32 to index
      %get3A_627 = arith.constant 48 : index
      %get3A_628 = tpu.vector_load %arg13[%get3A_626, %get3A_627] {strides = array<i32>} : memref<512x64xf32, #tpu.memory_space<vmem>>, vector<16xf32>,
      %sub3A_629 = arith.subf %add3A_625, %get3A_628 : vector<16xf32>
      %mul3A_630 = arith.mulf %sub3A_629, %sub3A_629 : vector<16xf32>
      %add3A_631 = arith.addf %add3A_618, %mul3A_630 : vector<16xf32>
      %swap3A_632 = arith.constant 5 : i32
      %swap3A_633 = arith.index_cast %swap3A_632 : i32 to index
      %swap3A_634 = arith.constant 0 : index
      %swap3A_635 = tpu.vector_load %arg14[%swap3A_633, %swap3A_634] {strides = array<i32>} : memref<16x17xf32, #tpu.memory_space<vmem>>, vector<16xf32>,
      tpu.vector_store %arg14[%swap3A_633, %swap3A_634], %add3A_631 {strides = array<i32>} : memref<16x17xf32, #tpu.memory_space<vmem>>, vector<16xf32>,
      %mul3A_636 = arith.constant 16 : i32
      %mul3A_637 = arith.muli %scan3A_266, %mul3A_636 : i32
      %add3A_638 = arith.constant 6 : i32
      %add3A_639 = arith.addi %mul3A_637, %add3A_638 : i32
      %broadcast_in_dim3A_640 = arith.constant 0.000000e+00 : f32
      %broadcast_in_dim3A_641 = vector.broadcast %broadcast_in_dim3A_640 : f32 to vector<16xf32>
      %get3A_642 = arith.index_cast %add3A_639 : i32 to index
      %get3A_643 = arith.constant 0 : index
      %get3A_644 = tpu.vector_load %arg11[%get3A_642, %get3A_643] {strides = array<i32>} : memref<512x64xf32, #tpu.memory_space<vmem>>, vector<16xf32>,
      %get3A_645 = arith.index_cast %add3A_639 : i32 to index
      %get3A_646 = arith.constant 0 : index
      %get3A_647 = tpu.vector_load %arg12[%get3A_645, %get3A_646] {strides = array<i32>} : memref<512x64xf32, #tpu.memory_space<vmem>>, vector<16xf32>,
      %add3A_648 = arith.addf %get3A_644, %get3A_647 : vector<16xf32>
      %get3A_649 = arith.index_cast %add3A_639 : i32 to index
      %get3A_650 = arith.constant 0 : index
      %get3A_651 = tpu.vector_load %arg13[%get3A_649, %get3A_650] {strides = array<i32>} : memref<512x64xf32, #tpu.memory_space<vmem>>, vector<16xf32>,
      %sub3A_652 = arith.subf %add3A_648, %get3A_651 : vector<16xf32>
      %mul3A_653 = arith.mulf %sub3A_652, %sub3A_652 : vector<16xf32>
      %add3A_654 = arith.addf %broadcast_in_dim3A_641, %mul3A_653 : vector<16xf32>
      %get3A_655 = arith.index_cast %add3A_639 : i32 to index
      %get3A_656 = arith.constant 16 : index
      %get3A_657 = tpu.vector_load %arg11[%get3A_655, %get3A_656] {strides = array<i32>} : memref<512x64xf32, #tpu.memory_space<vmem>>, vector<16xf32>,
      %get3A_658 = arith.index_cast %add3A_639 : i32 to index
      %get3A_659 = arith.constant 16 : index
      %get3A_660 = tpu.vector_load %arg12[%get3A_658, %get3A_659] {strides = array<i32>} : memref<512x64xf32, #tpu.memory_space<vmem>>, vector<16xf32>,
      %add3A_661 = arith.addf %get3A_657, %get3A_660 : vector<16xf32>
      %get3A_662 = arith.index_cast %add3A_639 : i32 to index
      %get3A_663 = arith.constant 16 : index
      %get3A_664 = tpu.vector_load %arg13[%get3A_662, %get3A_663] {strides = array<i32>} : memref<512x64xf32, #tpu.memory_space<vmem>>, vector<16xf32>,
      %sub3A_665 = arith.subf %add3A_661, %get3A_664 : vector<16xf32>
      %mul3A_666 = arith.mulf %sub3A_665, %sub3A_665 : vector<16xf32>
      %add3A_667 = arith.addf %add3A_654, %mul3A_666 : vector<16xf32>
      %get3A_668 = arith.index_cast %add3A_639 : i32 to index
      %get3A_669 = arith.constant 32 : index
      %get3A_670 = tpu.vector_load %arg11[%get3A_668, %get3A_669] {strides = array<i32>} : memref<512x64xf32, #tpu.memory_space<vmem>>, vector<16xf32>,
      %get3A_671 = arith.index_cast %add3A_639 : i32 to index
      %get3A_672 = arith.constant 32 : index
      %get3A_673 = tpu.vector_load %arg12[%get3A_671, %get3A_672] {strides = array<i32>} : memref<512x64xf32, #tpu.memory_space<vmem>>, vector<16xf32>,
      %add3A_674 = arith.addf %get3A_670, %get3A_673 : vector<16xf32>
      %get3A_675 = arith.index_cast %add3A_639 : i32 to index
      %get3A_676 = arith.constant 32 : index
      %get3A_677 = tpu.vector_load %arg13[%get3A_675, %get3A_676] {strides = array<i32>} : memref<512x64xf32, #tpu.memory_space<vmem>>, vector<16xf32>,
      %sub3A_678 = arith.subf %add3A_674, %get3A_677 : vector<16xf32>
      %mul3A_679 = arith.mulf %sub3A_678, %sub3A_678 : vector<16xf32>
      %add3A_680 = arith.addf %add3A_667, %mul3A_679 : vector<16xf32>
      %get3A_681 = arith.index_cast %add3A_639 : i32 to index
      %get3A_682 = arith.constant 48 : index
      %get3A_683 = tpu.vector_load %arg11[%get3A_681, %get3A_682] {strides = array<i32>} : memref<512x64xf32, #tpu.memory_space<vmem>>, vector<16xf32>,
      %get3A_684 = arith.index_cast %add3A_639 : i32 to index
      %get3A_685 = arith.constant 48 : index
      %get3A_686 = tpu.vector_load %arg12[%get3A_684, %get3A_685] {strides = array<i32>} : memref<512x64xf32, #tpu.memory_space<vmem>>, vector<16xf32>,
      %add3A_687 = arith.addf %get3A_683, %get3A_686 : vector<16xf32>
      %get3A_688 = arith.index_cast %add3A_639 : i32 to index
      %get3A_689 = arith.constant 48 : index
      %get3A_690 = tpu.vector_load %arg13[%get3A_688, %get3A_689] {strides = array<i32>} : memref<512x64xf32, #tpu.memory_space<vmem>>, vector<16xf32>,
      %sub3A_691 = arith.subf %add3A_687, %get3A_690 : vector<16xf32>
      %mul3A_692 = arith.mulf %sub3A_691, %sub3A_691 : vector<16xf32>
      %add3A_693 = arith.addf %add3A_680, %mul3A_692 : vector<16xf32>
      %swap3A_694 = arith.constant 6 : i32
      %swap3A_695 = arith.index_cast %swap3A_694 : i32 to index
      %swap3A_696 = arith.constant 0 : index
      %swap3A_697 = tpu.vector_load %arg14[%swap3A_695, %swap3A_696] {strides = array<i32>} : memref<16x17xf32, #tpu.memory_space<vmem>>, vector<16xf32>,
      tpu.vector_store %arg14[%swap3A_695, %swap3A_696], %add3A_693 {strides = array<i32>} : memref<16x17xf32, #tpu.memory_space<vmem>>, vector<16xf32>,
      %mul3A_698 = arith.constant 16 : i32
      %mul3A_699 = arith.muli %scan3A_266, %mul3A_698 : i32
      %add3A_700 = arith.constant 7 : i32
      %add3A_701 = arith.addi %mul3A_699, %add3A_700 : i32
      %broadcast_in_dim3A_702 = arith.constant 0.000000e+00 : f32
      %broadcast_in_dim3A_703 = vector.broadcast %broadcast_in_dim3A_702 : f32 to vector<16xf32>
      %get3A_704 = arith.index_cast %add3A_701 : i32 to index
      %get3A_705 = arith.constant 0 : index
      %get3A_706 = tpu.vector_load %arg11[%get3A_704, %get3A_705] {strides = array<i32>} : memref<512x64xf32, #tpu.memory_space<vmem>>, vector<16xf32>,
      %get3A_707 = arith.index_cast %add3A_701 : i32 to index
      %get3A_708 = arith.constant 0 : index
      %get3A_709 = tpu.vector_load %arg12[%get3A_707, %get3A_708] {strides = array<i32>} : memref<512x64xf32, #tpu.memory_space<vmem>>, vector<16xf32>,
      %add3A_710 = arith.addf %get3A_706, %get3A_709 : vector<16xf32>
      %get3A_711 = arith.index_cast %add3A_701 : i32 to index
      %get3A_712 = arith.constant 0 : index
      %get3A_713 = tpu.vector_load %arg13[%get3A_711, %get3A_712] {strides = array<i32>} : memref<512x64xf32, #tpu.memory_space<vmem>>, vector<16xf32>,
      %sub3A_714 = arith.subf %add3A_710, %get3A_713 : vector<16xf32>
      %mul3A_715 = arith.mulf %sub3A_714, %sub3A_714 : vector<16xf32>
      %add3A_716 = arith.addf %broadcast_in_dim3A_703, %mul3A_715 : vector<16xf32>
      %get3A_717 = arith.index_cast %add3A_701 : i32 to index
      %get3A_718 = arith.constant 16 : index
      %get3A_719 = tpu.vector_load %arg11[%get3A_717, %get3A_718] {strides = array<i32>} : memref<512x64xf32, #tpu.memory_space<vmem>>, vector<16xf32>,
      %get3A_720 = arith.index_cast %add3A_701 : i32 to index
      %get3A_721 = arith.constant 16 : index
      %get3A_722 = tpu.vector_load %arg12[%get3A_720, %get3A_721] {strides = array<i32>} : memref<512x64xf32, #tpu.memory_space<vmem>>, vector<16xf32>,
      %add3A_723 = arith.addf %get3A_719, %get3A_722 : vector<16xf32>
      %get3A_724 = arith.index_cast %add3A_701 : i32 to index
      %get3A_725 = arith.constant 16 : index
      %get3A_726 = tpu.vector_load %arg13[%get3A_724, %get3A_725] {strides = array<i32>} : memref<512x64xf32, #tpu.memory_space<vmem>>, vector<16xf32>,
      %sub3A_727 = arith.subf %add3A_723, %get3A_726 : vector<16xf32>
      %mul3A_728 = arith.mulf %sub3A_727, %sub3A_727 : vector<16xf32>
      %add3A_729 = arith.addf %add3A_716, %mul3A_728 : vector<16xf32>
      %get3A_730 = arith.index_cast %add3A_701 : i32 to index
      %get3A_731 = arith.constant 32 : index
      %get3A_732 = tpu.vector_load %arg11[%get3A_730, %get3A_731] {strides = array<i32>} : memref<512x64xf32, #tpu.memory_space<vmem>>, vector<16xf32>,
      %get3A_733 = arith.index_cast %add3A_701 : i32 to index
      %get3A_734 = arith.constant 32 : index
      %get3A_735 = tpu.vector_load %arg12[%get3A_733, %get3A_734] {strides = array<i32>} : memref<512x64xf32, #tpu.memory_space<vmem>>, vector<16xf32>,
      %add3A_736 = arith.addf %get3A_732, %get3A_735 : vector<16xf32>
      %get3A_737 = arith.index_cast %add3A_701 : i32 to index
      %get3A_738 = arith.constant 32 : index
      %get3A_739 = tpu.vector_load %arg13[%get3A_737, %get3A_738] {strides = array<i32>} : memref<512x64xf32, #tpu.memory_space<vmem>>, vector<16xf32>,
      %sub3A_740 = arith.subf %add3A_736, %get3A_739 : vector<16xf32>
      %mul3A_741 = arith.mulf %sub3A_740, %sub3A_740 : vector<16xf32>
      %add3A_742 = arith.addf %add3A_729, %mul3A_741 : vector<16xf32>
      %get3A_743 = arith.index_cast %add3A_701 : i32 to index
      %get3A_744 = arith.constant 48 : index
      %get3A_745 = tpu.vector_load %arg11[%get3A_743, %get3A_744] {strides = array<i32>} : memref<512x64xf32, #tpu.memory_space<vmem>>, vector<16xf32>,
      %get3A_746 = arith.index_cast %add3A_701 : i32 to index
      %get3A_747 = arith.constant 48 : index
      %get3A_748 = tpu.vector_load %arg12[%get3A_746, %get3A_747] {strides = array<i32>} : memref<512x64xf32, #tpu.memory_space<vmem>>, vector<16xf32>,
      %add3A_749 = arith.addf %get3A_745, %get3A_748 : vector<16xf32>
      %get3A_750 = arith.index_cast %add3A_701 : i32 to index
      %get3A_751 = arith.constant 48 : index
      %get3A_752 = tpu.vector_load %arg13[%get3A_750, %get3A_751] {strides = array<i32>} : memref<512x64xf32, #tpu.memory_space<vmem>>, vector<16xf32>,
      %sub3A_753 = arith.subf %add3A_749, %get3A_752 : vector<16xf32>
      %mul3A_754 = arith.mulf %sub3A_753, %sub3A_753 : vector<16xf32>
      %add3A_755 = arith.addf %add3A_742, %mul3A_754 : vector<16xf32>
      %swap3A_756 = arith.constant 7 : i32
      %swap3A_757 = arith.index_cast %swap3A_756 : i32 to index
      %swap3A_758 = arith.constant 0 : index
      %swap3A_759 = tpu.vector_load %arg14[%swap3A_757, %swap3A_758] {strides = array<i32>} : memref<16x17xf32, #tpu.memory_space<vmem>>, vector<16xf32>,
      tpu.vector_store %arg14[%swap3A_757, %swap3A_758], %add3A_755 {strides = array<i32>} : memref<16x17xf32, #tpu.memory_space<vmem>>, vector<16xf32>,
      %mul3A_760 = arith.constant 16 : i32
      %mul3A_761 = arith.muli %scan3A_266, %mul3A_760 : i32
      %add3A_762 = arith.constant 8 : i32
      %add3A_763 = arith.addi %mul3A_761, %add3A_762 : i32
      %broadcast_in_dim3A_764 = arith.constant 0.000000e+00 : f32
      %broadcast_in_dim3A_765 = vector.broadcast %broadcast_in_dim3A_764 : f32 to vector<16xf32>
      %get3A_766 = arith.index_cast %add3A_763 : i32 to index
      %get3A_767 = arith.constant 0 : index
      %get3A_768 = tpu.vector_load %arg11[%get3A_766, %get3A_767] {strides = array<i32>} : memref<512x64xf32, #tpu.memory_space<vmem>>, vector<16xf32>,
      %get3A_769 = arith.index_cast %add3A_763 : i32 to index
      %get3A_770 = arith.constant 0 : index
      %get3A_771 = tpu.vector_load %arg12[%get3A_769, %get3A_770] {strides = array<i32>} : memref<512x64xf32, #tpu.memory_space<vmem>>, vector<16xf32>,
      %add3A_772 = arith.addf %get3A_768, %get3A_771 : vector<16xf32>
      %get3A_773 = arith.index_cast %add3A_763 : i32 to index
      %get3A_774 = arith.constant 0 : index
      %get3A_775 = tpu.vector_load %arg13[%get3A_773, %get3A_774] {strides = array<i32>} : memref<512x64xf32, #tpu.memory_space<vmem>>, vector<16xf32>,
      %sub3A_776 = arith.subf %add3A_772, %get3A_775 : vector<16xf32>
      %mul3A_777 = arith.mulf %sub3A_776, %sub3A_776 : vector<16xf32>
      %add3A_778 = arith.addf %broadcast_in_dim3A_765, %mul3A_777 : vector<16xf32>
      %get3A_779 = arith.index_cast %add3A_763 : i32 to index
      %get3A_780 = arith.constant 16 : index
      %get3A_781 = tpu.vector_load %arg11[%get3A_779, %get3A_780] {strides = array<i32>} : memref<512x64xf32, #tpu.memory_space<vmem>>, vector<16xf32>,
      %get3A_782 = arith.index_cast %add3A_763 : i32 to index
      %get3A_783 = arith.constant 16 : index
      %get3A_784 = tpu.vector_load %arg12[%get3A_782, %get3A_783] {strides = array<i32>} : memref<512x64xf32, #tpu.memory_space<vmem>>, vector<16xf32>,
      %add3A_785 = arith.addf %get3A_781, %get3A_784 : vector<16xf32>
      %get3A_786 = arith.index_cast %add3A_763 : i32 to index
      %get3A_787 = arith.constant 16 : index
      %get3A_788 = tpu.vector_load %arg13[%get3A_786, %get3A_787] {strides = array<i32>} : memref<512x64xf32, #tpu.memory_space<vmem>>, vector<16xf32>,
      %sub3A_789 = arith.subf %add3A_785, %get3A_788 : vector<16xf32>
      %mul3A_790 = arith.mulf %sub3A_789, %sub3A_789 : vector<16xf32>
      %add3A_791 = arith.addf %add3A_778, %mul3A_790 : vector<16xf32>
      %get3A_792 = arith.index_cast %add3A_763 : i32 to index
      %get3A_793 = arith.constant 32 : index
      %get3A_794 = tpu.vector_load %arg11[%get3A_792, %get3A_793] {strides = array<i32>} : memref<512x64xf32, #tpu.memory_space<vmem>>, vector<16xf32>,
      %get3A_795 = arith.index_cast %add3A_763 : i32 to index
      %get3A_796 = arith.constant 32 : index
      %get3A_797 = tpu.vector_load %arg12[%get3A_795, %get3A_796] {strides = array<i32>} : memref<512x64xf32, #tpu.memory_space<vmem>>, vector<16xf32>,
      %add3A_798 = arith.addf %get3A_794, %get3A_797 : vector<16xf32>
      %get3A_799 = arith.index_cast %add3A_763 : i32 to index
      %get3A_800 = arith.constant 32 : index
      %get3A_801 = tpu.vector_load %arg13[%get3A_799, %get3A_800] {strides = array<i32>} : memref<512x64xf32, #tpu.memory_space<vmem>>, vector<16xf32>,
      %sub3A_802 = arith.subf %add3A_798, %get3A_801 : vector<16xf32>
      %mul3A_803 = arith.mulf %sub3A_802, %sub3A_802 : vector<16xf32>
      %add3A_804 = arith.addf %add3A_791, %mul3A_803 : vector<16xf32>
      %get3A_805 = arith.index_cast %add3A_763 : i32 to index
      %get3A_806 = arith.constant 48 : index
      %get3A_807 = tpu.vector_load %arg11[%get3A_805, %get3A_806] {strides = array<i32>} : memref<512x64xf32, #tpu.memory_space<vmem>>, vector<16xf32>,
      %get3A_808 = arith.index_cast %add3A_763 : i32 to index
      %get3A_809 = arith.constant 48 : index
      %get3A_810 = tpu.vector_load %arg12[%get3A_808, %get3A_809] {strides = array<i32>} : memref<512x64xf32, #tpu.memory_space<vmem>>, vector<16xf32>,
      %add3A_811 = arith.addf %get3A_807, %get3A_810 : vector<16xf32>
      %get3A_812 = arith.index_cast %add3A_763 : i32 to index
      %get3A_813 = arith.constant 48 : index
      %get3A_814 = tpu.vector_load %arg13[%get3A_812, %get3A_813] {strides = array<i32>} : memref<512x64xf32, #tpu.memory_space<vmem>>, vector<16xf32>,
      %sub3A_815 = arith.subf %add3A_811, %get3A_814 : vector<16xf32>
      %mul3A_816 = arith.mulf %sub3A_815, %sub3A_815 : vector<16xf32>
      %add3A_817 = arith.addf %add3A_804, %mul3A_816 : vector<16xf32>
      %swap3A_818 = arith.constant 8 : i32
      %swap3A_819 = arith.index_cast %swap3A_818 : i32 to index
      %swap3A_820 = arith.constant 0 : index
      %swap3A_821 = tpu.vector_load %arg14[%swap3A_819, %swap3A_820] {strides = array<i32>} : memref<16x17xf32, #tpu.memory_space<vmem>>, vector<16xf32>,
      tpu.vector_store %arg14[%swap3A_819, %swap3A_820], %add3A_817 {strides = array<i32>} : memref<16x17xf32, #tpu.memory_space<vmem>>, vector<16xf32>,
      %mul3A_822 = arith.constant 16 : i32
      %mul3A_823 = arith.muli %scan3A_266, %mul3A_822 : i32
      %add3A_824 = arith.constant 9 : i32
      %add3A_825 = arith.addi %mul3A_823, %add3A_824 : i32
      %broadcast_in_dim3A_826 = arith.constant 0.000000e+00 : f32
      %broadcast_in_dim3A_827 = vector.broadcast %broadcast_in_dim3A_826 : f32 to vector<16xf32>
      %get3A_828 = arith.index_cast %add3A_825 : i32 to index
      %get3A_829 = arith.constant 0 : index
      %get3A_830 = tpu.vector_load %arg11[%get3A_828, %get3A_829] {strides = array<i32>} : memref<512x64xf32, #tpu.memory_space<vmem>>, vector<16xf32>,
      %get3A_831 = arith.index_cast %add3A_825 : i32 to index
      %get3A_832 = arith.constant 0 : index
      %get3A_833 = tpu.vector_load %arg12[%get3A_831, %get3A_832] {strides = array<i32>} : memref<512x64xf32, #tpu.memory_space<vmem>>, vector<16xf32>,
      %add3A_834 = arith.addf %get3A_830, %get3A_833 : vector<16xf32>
      %get3A_835 = arith.index_cast %add3A_825 : i32 to index
      %get3A_836 = arith.constant 0 : index
      %get3A_837 = tpu.vector_load %arg13[%get3A_835, %get3A_836] {strides = array<i32>} : memref<512x64xf32, #tpu.memory_space<vmem>>, vector<16xf32>,
      %sub3A_838 = arith.subf %add3A_834, %get3A_837 : vector<16xf32>
      %mul3A_839 = arith.mulf %sub3A_838, %sub3A_838 : vector<16xf32>
      %add3A_840 = arith.addf %broadcast_in_dim3A_827, %mul3A_839 : vector<16xf32>
      %get3A_841 = arith.index_cast %add3A_825 : i32 to index
      %get3A_842 = arith.constant 16 : index
      %get3A_843 = tpu.vector_load %arg11[%get3A_841, %get3A_842] {strides = array<i32>} : memref<512x64xf32, #tpu.memory_space<vmem>>, vector<16xf32>,
      %get3A_844 = arith.index_cast %add3A_825 : i32 to index
      %get3A_845 = arith.constant 16 : index
      %get3A_846 = tpu.vector_load %arg12[%get3A_844, %get3A_845] {strides = array<i32>} : memref<512x64xf32, #tpu.memory_space<vmem>>, vector<16xf32>,
      %add3A_847 = arith.addf %get3A_843, %get3A_846 : vector<16xf32>
      %get3A_848 = arith.index_cast %add3A_825 : i32 to index
      %get3A_849 = arith.constant 16 : index
      %get3A_850 = tpu.vector_load %arg13[%get3A_848, %get3A_849] {strides = array<i32>} : memref<512x64xf32, #tpu.memory_space<vmem>>, vector<16xf32>,
      %sub3A_851 = arith.subf %add3A_847, %get3A_850 : vector<16xf32>
      %mul3A_852 = arith.mulf %sub3A_851, %sub3A_851 : vector<16xf32>
      %add3A_853 = arith.addf %add3A_840, %mul3A_852 : vector<16xf32>
      %get3A_854 = arith.index_cast %add3A_825 : i32 to index
      %get3A_855 = arith.constant 32 : index
      %get3A_856 = tpu.vector_load %arg11[%get3A_854, %get3A_855] {strides = array<i32>} : memref<512x64xf32, #tpu.memory_space<vmem>>, vector<16xf32>,
      %get3A_857 = arith.index_cast %add3A_825 : i32 to index
      %get3A_858 = arith.constant 32 : index
      %get3A_859 = tpu.vector_load %arg12[%get3A_857, %get3A_858] {strides = array<i32>} : memref<512x64xf32, #tpu.memory_space<vmem>>, vector<16xf32>,
      %add3A_860 = arith.addf %get3A_856, %get3A_859 : vector<16xf32>
      %get3A_861 = arith.index_cast %add3A_825 : i32 to index
      %get3A_862 = arith.constant 32 : index
      %get3A_863 = tpu.vector_load %arg13[%get3A_861, %get3A_862] {strides = array<i32>} : memref<512x64xf32, #tpu.memory_space<vmem>>, vector<16xf32>,
      %sub3A_864 = arith.subf %add3A_860, %get3A_863 : vector<16xf32>
      %mul3A_865 = arith.mulf %sub3A_864, %sub3A_864 : vector<16xf32>
      %add3A_866 = arith.addf %add3A_853, %mul3A_865 : vector<16xf32>
      %get3A_867 = arith.index_cast %add3A_825 : i32 to index
      %get3A_868 = arith.constant 48 : index
      %get3A_869 = tpu.vector_load %arg11[%get3A_867, %get3A_868] {strides = array<i32>} : memref<512x64xf32, #tpu.memory_space<vmem>>, vector<16xf32>,
      %get3A_870 = arith.index_cast %add3A_825 : i32 to index
      %get3A_871 = arith.constant 48 : index
      %get3A_872 = tpu.vector_load %arg12[%get3A_870, %get3A_871] {strides = array<i32>} : memref<512x64xf32, #tpu.memory_space<vmem>>, vector<16xf32>,
      %add3A_873 = arith.addf %get3A_869, %get3A_872 : vector<16xf32>
      %get3A_874 = arith.index_cast %add3A_825 : i32 to index
      %get3A_875 = arith.constant 48 : index
      %get3A_876 = tpu.vector_load %arg13[%get3A_874, %get3A_875] {strides = array<i32>} : memref<512x64xf32, #tpu.memory_space<vmem>>, vector<16xf32>,
      %sub3A_877 = arith.subf %add3A_873, %get3A_876 : vector<16xf32>
      %mul3A_878 = arith.mulf %sub3A_877, %sub3A_877 : vector<16xf32>
      %add3A_879 = arith.addf %add3A_866, %mul3A_878 : vector<16xf32>
      %swap3A_880 = arith.constant 9 : i32
      %swap3A_881 = arith.index_cast %swap3A_880 : i32 to index
      %swap3A_882 = arith.constant 0 : index
      %swap3A_883 = tpu.vector_load %arg14[%swap3A_881, %swap3A_882] {strides = array<i32>} : memref<16x17xf32, #tpu.memory_space<vmem>>, vector<16xf32>,
      tpu.vector_store %arg14[%swap3A_881, %swap3A_882], %add3A_879 {strides = array<i32>} : memref<16x17xf32, #tpu.memory_space<vmem>>, vector<16xf32>,
      %mul3A_884 = arith.constant 16 : i32
      %mul3A_885 = arith.muli %scan3A_266, %mul3A_884 : i32
      %add3A_886 = arith.constant 10 : i32
      %add3A_887 = arith.addi %mul3A_885, %add3A_886 : i32
      %broadcast_in_dim3A_888 = arith.constant 0.000000e+00 : f32
      %broadcast_in_dim3A_889 = vector.broadcast %broadcast_in_dim3A_888 : f32 to vector<16xf32>
      %get3A_890 = arith.index_cast %add3A_887 : i32 to index
      %get3A_891 = arith.constant 0 : index
      %get3A_892 = tpu.vector_load %arg11[%get3A_890, %get3A_891] {strides = array<i32>} : memref<512x64xf32, #tpu.memory_space<vmem>>, vector<16xf32>,
      %get3A_893 = arith.index_cast %add3A_887 : i32 to index
      %get3A_894 = arith.constant 0 : index
      %get3A_895 = tpu.vector_load %arg12[%get3A_893, %get3A_894] {strides = array<i32>} : memref<512x64xf32, #tpu.memory_space<vmem>>, vector<16xf32>,
      %add3A_896 = arith.addf %get3A_892, %get3A_895 : vector<16xf32>
      %get3A_897 = arith.index_cast %add3A_887 : i32 to index
      %get3A_898 = arith.constant 0 : index
      %get3A_899 = tpu.vector_load %arg13[%get3A_897, %get3A_898] {strides = array<i32>} : memref<512x64xf32, #tpu.memory_space<vmem>>, vector<16xf32>,
      %sub3A_900 = arith.subf %add3A_896, %get3A_899 : vector<16xf32>
      %mul3A_901 = arith.mulf %sub3A_900, %sub3A_900 : vector<16xf32>
      %add3A_902 = arith.addf %broadcast_in_dim3A_889, %mul3A_901 : vector<16xf32>
      %get3A_903 = arith.index_cast %add3A_887 : i32 to index
      %get3A_904 = arith.constant 16 : index
      %get3A_905 = tpu.vector_load %arg11[%get3A_903, %get3A_904] {strides = array<i32>} : memref<512x64xf32, #tpu.memory_space<vmem>>, vector<16xf32>,
      %get3A_906 = arith.index_cast %add3A_887 : i32 to index
      %get3A_907 = arith.constant 16 : index
      %get3A_908 = tpu.vector_load %arg12[%get3A_906, %get3A_907] {strides = array<i32>} : memref<512x64xf32, #tpu.memory_space<vmem>>, vector<16xf32>,
      %add3A_909 = arith.addf %get3A_905, %get3A_908 : vector<16xf32>
      %get3A_910 = arith.index_cast %add3A_887 : i32 to index
      %get3A_911 = arith.constant 16 : index
      %get3A_912 = tpu.vector_load %arg13[%get3A_910, %get3A_911] {strides = array<i32>} : memref<512x64xf32, #tpu.memory_space<vmem>>, vector<16xf32>,
      %sub3A_913 = arith.subf %add3A_909, %get3A_912 : vector<16xf32>
      %mul3A_914 = arith.mulf %sub3A_913, %sub3A_913 : vector<16xf32>
      %add3A_915 = arith.addf %add3A_902, %mul3A_914 : vector<16xf32>
      %get3A_916 = arith.index_cast %add3A_887 : i32 to index
      %get3A_917 = arith.constant 32 : index
      %get3A_918 = tpu.vector_load %arg11[%get3A_916, %get3A_917] {strides = array<i32>} : memref<512x64xf32, #tpu.memory_space<vmem>>, vector<16xf32>,
      %get3A_919 = arith.index_cast %add3A_887 : i32 to index
      %get3A_920 = arith.constant 32 : index
      %get3A_921 = tpu.vector_load %arg12[%get3A_919, %get3A_920] {strides = array<i32>} : memref<512x64xf32, #tpu.memory_space<vmem>>, vector<16xf32>,
      %add3A_922 = arith.addf %get3A_918, %get3A_921 : vector<16xf32>
      %get3A_923 = arith.index_cast %add3A_887 : i32 to index
      %get3A_924 = arith.constant 32 : index
      %get3A_925 = tpu.vector_load %arg13[%get3A_923, %get3A_924] {strides = array<i32>} : memref<512x64xf32, #tpu.memory_space<vmem>>, vector<16xf32>,
      %sub3A_926 = arith.subf %add3A_922, %get3A_925 : vector<16xf32>
      %mul3A_927 = arith.mulf %sub3A_926, %sub3A_926 : vector<16xf32>
      %add3A_928 = arith.addf %add3A_915, %mul3A_927 : vector<16xf32>
      %get3A_929 = arith.index_cast %add3A_887 : i32 to index
      %get3A_930 = arith.constant 48 : index
      %get3A_931 = tpu.vector_load %arg11[%get3A_929, %get3A_930] {strides = array<i32>} : memref<512x64xf32, #tpu.memory_space<vmem>>, vector<16xf32>,
      %get3A_932 = arith.index_cast %add3A_887 : i32 to index
      %get3A_933 = arith.constant 48 : index
      %get3A_934 = tpu.vector_load %arg12[%get3A_932, %get3A_933] {strides = array<i32>} : memref<512x64xf32, #tpu.memory_space<vmem>>, vector<16xf32>,
      %add3A_935 = arith.addf %get3A_931, %get3A_934 : vector<16xf32>
      %get3A_936 = arith.index_cast %add3A_887 : i32 to index
      %get3A_937 = arith.constant 48 : index
      %get3A_938 = tpu.vector_load %arg13[%get3A_936, %get3A_937] {strides = array<i32>} : memref<512x64xf32, #tpu.memory_space<vmem>>, vector<16xf32>,
      %sub3A_939 = arith.subf %add3A_935, %get3A_938 : vector<16xf32>
      %mul3A_940 = arith.mulf %sub3A_939, %sub3A_939 : vector<16xf32>
      %add3A_941 = arith.addf %add3A_928, %mul3A_940 : vector<16xf32>
      %swap3A_942 = arith.constant 10 : i32
      %swap3A_943 = arith.index_cast %swap3A_942 : i32 to index
      %swap3A_944 = arith.constant 0 : index
      %swap3A_945 = tpu.vector_load %arg14[%swap3A_943, %swap3A_944] {strides = array<i32>} : memref<16x17xf32, #tpu.memory_space<vmem>>, vector<16xf32>,
      tpu.vector_store %arg14[%swap3A_943, %swap3A_944], %add3A_941 {strides = array<i32>} : memref<16x17xf32, #tpu.memory_space<vmem>>, vector<16xf32>,
      %mul3A_946 = arith.constant 16 : i32
      %mul3A_947 = arith.muli %scan3A_266, %mul3A_946 : i32
      %add3A_948 = arith.constant 11 : i32
      %add3A_949 = arith.addi %mul3A_947, %add3A_948 : i32
      %broadcast_in_dim3A_950 = arith.constant 0.000000e+00 : f32
      %broadcast_in_dim3A_951 = vector.broadcast %broadcast_in_dim3A_950 : f32 to vector<16xf32>
      %get3A_952 = arith.index_cast %add3A_949 : i32 to index
      %get3A_953 = arith.constant 0 : index
      %get3A_954 = tpu.vector_load %arg11[%get3A_952, %get3A_953] {strides = array<i32>} : memref<512x64xf32, #tpu.memory_space<vmem>>, vector<16xf32>,
      %get3A_955 = arith.index_cast %add3A_949 : i32 to index
      %get3A_956 = arith.constant 0 : index
      %get3A_957 = tpu.vector_load %arg12[%get3A_955, %get3A_956] {strides = array<i32>} : memref<512x64xf32, #tpu.memory_space<vmem>>, vector<16xf32>,
      %add3A_958 = arith.addf %get3A_954, %get3A_957 : vector<16xf32>
      %get3A_959 = arith.index_cast %add3A_949 : i32 to index
      %get3A_960 = arith.constant 0 : index
      %get3A_961 = tpu.vector_load %arg13[%get3A_959, %get3A_960] {strides = array<i32>} : memref<512x64xf32, #tpu.memory_space<vmem>>, vector<16xf32>,
      %sub3A_962 = arith.subf %add3A_958, %get3A_961 : vector<16xf32>
      %mul3A_963 = arith.mulf %sub3A_962, %sub3A_962 : vector<16xf32>
      %add3A_964 = arith.addf %broadcast_in_dim3A_951, %mul3A_963 : vector<16xf32>
      %get3A_965 = arith.index_cast %add3A_949 : i32 to index
      %get3A_966 = arith.constant 16 : index
      %get3A_967 = tpu.vector_load %arg11[%get3A_965, %get3A_966] {strides = array<i32>} : memref<512x64xf32, #tpu.memory_space<vmem>>, vector<16xf32>,
      %get3A_968 = arith.index_cast %add3A_949 : i32 to index
      %get3A_969 = arith.constant 16 : index
      %get3A_970 = tpu.vector_load %arg12[%get3A_968, %get3A_969] {strides = array<i32>} : memref<512x64xf32, #tpu.memory_space<vmem>>, vector<16xf32>,
      %add3A_971 = arith.addf %get3A_967, %get3A_970 : vector<16xf32>
      %get3A_972 = arith.index_cast %add3A_949 : i32 to index
      %get3A_973 = arith.constant 16 : index
      %get3A_974 = tpu.vector_load %arg13[%get3A_972, %get3A_973] {strides = array<i32>} : memref<512x64xf32, #tpu.memory_space<vmem>>, vector<16xf32>,
      %sub3A_975 = arith.subf %add3A_971, %get3A_974 : vector<16xf32>
      %mul3A_976 = arith.mulf %sub3A_975, %sub3A_975 : vector<16xf32>
      %add3A_977 = arith.addf %add3A_964, %mul3A_976 : vector<16xf32>
      %get3A_978 = arith.index_cast %add3A_949 : i32 to index
      %get3A_979 = arith.constant 32 : index
      %get3A_980 = tpu.vector_load %arg11[%get3A_978, %get3A_979] {strides = array<i32>} : memref<512x64xf32, #tpu.memory_space<vmem>>, vector<16xf32>,
      %get3A_981 = arith.index_cast %add3A_949 : i32 to index
      %get3A_982 = arith.constant 32 : index
      %get3A_983 = tpu.vector_load %arg12[%get3A_981, %get3A_982] {strides = array<i32>} : memref<512x64xf32, #tpu.memory_space<vmem>>, vector<16xf32>,
      %add3A_984 = arith.addf %get3A_980, %get3A_983 : vector<16xf32>
      %get3A_985 = arith.index_cast %add3A_949 : i32 to index
      %get3A_986 = arith.constant 32 : index
      %get3A_987 = tpu.vector_load %arg13[%get3A_985, %get3A_986] {strides = array<i32>} : memref<512x64xf32, #tpu.memory_space<vmem>>, vector<16xf32>,
      %sub3A_988 = arith.subf %add3A_984, %get3A_987 : vector<16xf32>
      %mul3A_989 = arith.mulf %sub3A_988, %sub3A_988 : vector<16xf32>
      %add3A_990 = arith.addf %add3A_977, %mul3A_989 : vector<16xf32>
      %get3A_991 = arith.index_cast %add3A_949 : i32 to index
      %get3A_992 = arith.constant 48 : index
      %get3A_993 = tpu.vector_load %arg11[%get3A_991, %get3A_992] {strides = array<i32>} : memref<512x64xf32, #tpu.memory_space<vmem>>, vector<16xf32>,
      %get3A_994 = arith.index_cast %add3A_949 : i32 to index
      %get3A_995 = arith.constant 48 : index
      %get3A_996 = tpu.vector_load %arg12[%get3A_994, %get3A_995] {strides = array<i32>} : memref<512x64xf32, #tpu.memory_space<vmem>>, vector<16xf32>,
      %add3A_997 = arith.addf %get3A_993, %get3A_996 : vector<16xf32>
      %get3A_998 = arith.index_cast %add3A_949 : i32 to index
      %get3A_999 = arith.constant 48 : index
      %get3A_1000 = tpu.vector_load %arg13[%get3A_998, %get3A_999] {strides = array<i32>} : memref<512x64xf32, #tpu.memory_space<vmem>>, vector<16xf32>,
      %sub3A_1001 = arith.subf %add3A_997, %get3A_1000 : vector<16xf32>
      %mul3A_1002 = arith.mulf %sub3A_1001, %sub3A_1001 : vector<16xf32>
      %add3A_1003 = arith.addf %add3A_990, %mul3A_1002 : vector<16xf32>
      %swap3A_1004 = arith.constant 11 : i32
      %swap3A_1005 = arith.index_cast %swap3A_1004 : i32 to index
      %swap3A_1006 = arith.constant 0 : index
      %swap3A_1007 = tpu.vector_load %arg14[%swap3A_1005, %swap3A_1006] {strides = array<i32>} : memref<16x17xf32, #tpu.memory_space<vmem>>, vector<16xf32>,
      tpu.vector_store %arg14[%swap3A_1005, %swap3A_1006], %add3A_1003 {strides = array<i32>} : memref<16x17xf32, #tpu.memory_space<vmem>>, vector<16xf32>,
      %mul3A_1008 = arith.constant 16 : i32
      %mul3A_1009 = arith.muli %scan3A_266, %mul3A_1008 : i32
      %add3A_1010 = arith.constant 12 : i32
      %add3A_1011 = arith.addi %mul3A_1009, %add3A_1010 : i32
      %broadcast_in_dim3A_1012 = arith.constant 0.000000e+00 : f32
      %broadcast_in_dim3A_1013 = vector.broadcast %broadcast_in_dim3A_1012 : f32 to vector<16xf32>
      %get3A_1014 = arith.index_cast %add3A_1011 : i32 to index
      %get3A_1015 = arith.constant 0 : index
      %get3A_1016 = tpu.vector_load %arg11[%get3A_1014, %get3A_1015] {strides = array<i32>} : memref<512x64xf32, #tpu.memory_space<vmem>>, vector<16xf32>,
      %get3A_1017 = arith.index_cast %add3A_1011 : i32 to index
      %get3A_1018 = arith.constant 0 : index
      %get3A_1019 = tpu.vector_load %arg12[%get3A_1017, %get3A_1018] {strides = array<i32>} : memref<512x64xf32, #tpu.memory_space<vmem>>, vector<16xf32>,
      %add3A_1020 = arith.addf %get3A_1016, %get3A_1019 : vector<16xf32>
      %get3A_1021 = arith.index_cast %add3A_1011 : i32 to index
      %get3A_1022 = arith.constant 0 : index
      %get3A_1023 = tpu.vector_load %arg13[%get3A_1021, %get3A_1022] {strides = array<i32>} : memref<512x64xf32, #tpu.memory_space<vmem>>, vector<16xf32>,
      %sub3A_1024 = arith.subf %add3A_1020, %get3A_1023 : vector<16xf32>
      %mul3A_1025 = arith.mulf %sub3A_1024, %sub3A_1024 : vector<16xf32>
      %add3A_1026 = arith.addf %broadcast_in_dim3A_1013, %mul3A_1025 : vector<16xf32>
      %get3A_1027 = arith.index_cast %add3A_1011 : i32 to index
      %get3A_1028 = arith.constant 16 : index
      %get3A_1029 = tpu.vector_load %arg11[%get3A_1027, %get3A_1028] {strides = array<i32>} : memref<512x64xf32, #tpu.memory_space<vmem>>, vector<16xf32>,
      %get3A_1030 = arith.index_cast %add3A_1011 : i32 to index
      %get3A_1031 = arith.constant 16 : index
      %get3A_1032 = tpu.vector_load %arg12[%get3A_1030, %get3A_1031] {strides = array<i32>} : memref<512x64xf32, #tpu.memory_space<vmem>>, vector<16xf32>,
      %add3A_1033 = arith.addf %get3A_1029, %get3A_1032 : vector<16xf32>
      %get3A_1034 = arith.index_cast %add3A_1011 : i32 to index
      %get3A_1035 = arith.constant 16 : index
      %get3A_1036 = tpu.vector_load %arg13[%get3A_1034, %get3A_1035] {strides = array<i32>} : memref<512x64xf32, #tpu.memory_space<vmem>>, vector<16xf32>,
      %sub3A_1037 = arith.subf %add3A_1033, %get3A_1036 : vector<16xf32>
      %mul3A_1038 = arith.mulf %sub3A_1037, %sub3A_1037 : vector<16xf32>
      %add3A_1039 = arith.addf %add3A_1026, %mul3A_1038 : vector<16xf32>
      %get3A_1040 = arith.index_cast %add3A_1011 : i32 to index
      %get3A_1041 = arith.constant 32 : index
      %get3A_1042 = tpu.vector_load %arg11[%get3A_1040, %get3A_1041] {strides = array<i32>} : memref<512x64xf32, #tpu.memory_space<vmem>>, vector<16xf32>,
      %get3A_1043 = arith.index_cast %add3A_1011 : i32 to index
      %get3A_1044 = arith.constant 32 : index
      %get3A_1045 = tpu.vector_load %arg12[%get3A_1043, %get3A_1044] {strides = array<i32>} : memref<512x64xf32, #tpu.memory_space<vmem>>, vector<16xf32>,
      %add3A_1046 = arith.addf %get3A_1042, %get3A_1045 : vector<16xf32>
      %get3A_1047 = arith.index_cast %add3A_1011 : i32 to index
      %get3A_1048 = arith.constant 32 : index
      %get3A_1049 = tpu.vector_load %arg13[%get3A_1047, %get3A_1048] {strides = array<i32>} : memref<512x64xf32, #tpu.memory_space<vmem>>, vector<16xf32>,
      %sub3A_1050 = arith.subf %add3A_1046, %get3A_1049 : vector<16xf32>
      %mul3A_1051 = arith.mulf %sub3A_1050, %sub3A_1050 : vector<16xf32>
      %add3A_1052 = arith.addf %add3A_1039, %mul3A_1051 : vector<16xf32>
      %get3A_1053 = arith.index_cast %add3A_1011 : i32 to index
      %get3A_1054 = arith.constant 48 : index
      %get3A_1055 = tpu.vector_load %arg11[%get3A_1053, %get3A_1054] {strides = array<i32>} : memref<512x64xf32, #tpu.memory_space<vmem>>, vector<16xf32>,
      %get3A_1056 = arith.index_cast %add3A_1011 : i32 to index
      %get3A_1057 = arith.constant 48 : index
      %get3A_1058 = tpu.vector_load %arg12[%get3A_1056, %get3A_1057] {strides = array<i32>} : memref<512x64xf32, #tpu.memory_space<vmem>>, vector<16xf32>,
      %add3A_1059 = arith.addf %get3A_1055, %get3A_1058 : vector<16xf32>
      %get3A_1060 = arith.index_cast %add3A_1011 : i32 to index
      %get3A_1061 = arith.constant 48 : index
      %get3A_1062 = tpu.vector_load %arg13[%get3A_1060, %get3A_1061] {strides = array<i32>} : memref<512x64xf32, #tpu.memory_space<vmem>>, vector<16xf32>,
      %sub3A_1063 = arith.subf %add3A_1059, %get3A_1062 : vector<16xf32>
      %mul3A_1064 = arith.mulf %sub3A_1063, %sub3A_1063 : vector<16xf32>
      %add3A_1065 = arith.addf %add3A_1052, %mul3A_1064 : vector<16xf32>
      %swap3A_1066 = arith.constant 12 : i32
      %swap3A_1067 = arith.index_cast %swap3A_1066 : i32 to index
      %swap3A_1068 = arith.constant 0 : index
      %swap3A_1069 = tpu.vector_load %arg14[%swap3A_1067, %swap3A_1068] {strides = array<i32>} : memref<16x17xf32, #tpu.memory_space<vmem>>, vector<16xf32>,
      tpu.vector_store %arg14[%swap3A_1067, %swap3A_1068], %add3A_1065 {strides = array<i32>} : memref<16x17xf32, #tpu.memory_space<vmem>>, vector<16xf32>,
      %mul3A_1070 = arith.constant 16 : i32
      %mul3A_1071 = arith.muli %scan3A_266, %mul3A_1070 : i32
      %add3A_1072 = arith.constant 13 : i32
      %add3A_1073 = arith.addi %mul3A_1071, %add3A_1072 : i32
      %broadcast_in_dim3A_1074 = arith.constant 0.000000e+00 : f32
      %broadcast_in_dim3A_1075 = vector.broadcast %broadcast_in_dim3A_1074 : f32 to vector<16xf32>
      %get3A_1076 = arith.index_cast %add3A_1073 : i32 to index
      %get3A_1077 = arith.constant 0 : index
      %get3A_1078 = tpu.vector_load %arg11[%get3A_1076, %get3A_1077] {strides = array<i32>} : memref<512x64xf32, #tpu.memory_space<vmem>>, vector<16xf32>,
      %get3A_1079 = arith.index_cast %add3A_1073 : i32 to index
      %get3A_1080 = arith.constant 0 : index
      %get3A_1081 = tpu.vector_load %arg12[%get3A_1079, %get3A_1080] {strides = array<i32>} : memref<512x64xf32, #tpu.memory_space<vmem>>, vector<16xf32>,
      %add3A_1082 = arith.addf %get3A_1078, %get3A_1081 : vector<16xf32>
      %get3A_1083 = arith.index_cast %add3A_1073 : i32 to index
      %get3A_1084 = arith.constant 0 : index
      %get3A_1085 = tpu.vector_load %arg13[%get3A_1083, %get3A_1084] {strides = array<i32>} : memref<512x64xf32, #tpu.memory_space<vmem>>, vector<16xf32>,
      %sub3A_1086 = arith.subf %add3A_1082, %get3A_1085 : vector<16xf32>
      %mul3A_1087 = arith.mulf %sub3A_1086, %sub3A_1086 : vector<16xf32>
      %add3A_1088 = arith.addf %broadcast_in_dim3A_1075, %mul3A_1087 : vector<16xf32>
      %get3A_1089 = arith.index_cast %add3A_1073 : i32 to index
      %get3A_1090 = arith.constant 16 : index
      %get3A_1091 = tpu.vector_load %arg11[%get3A_1089, %get3A_1090] {strides = array<i32>} : memref<512x64xf32, #tpu.memory_space<vmem>>, vector<16xf32>,
      %get3A_1092 = arith.index_cast %add3A_1073 : i32 to index
      %get3A_1093 = arith.constant 16 : index
      %get3A_1094 = tpu.vector_load %arg12[%get3A_1092, %get3A_1093] {strides = array<i32>} : memref<512x64xf32, #tpu.memory_space<vmem>>, vector<16xf32>,
      %add3A_1095 = arith.addf %get3A_1091, %get3A_1094 : vector<16xf32>
      %get3A_1096 = arith.index_cast %add3A_1073 : i32 to index
      %get3A_1097 = arith.constant 16 : index
      %get3A_1098 = tpu.vector_load %arg13[%get3A_1096, %get3A_1097] {strides = array<i32>} : memref<512x64xf32, #tpu.memory_space<vmem>>, vector<16xf32>,
      %sub3A_1099 = arith.subf %add3A_1095, %get3A_1098 : vector<16xf32>
      %mul3A_1100 = arith.mulf %sub3A_1099, %sub3A_1099 : vector<16xf32>
      %add3A_1101 = arith.addf %add3A_1088, %mul3A_1100 : vector<16xf32>
      %get3A_1102 = arith.index_cast %add3A_1073 : i32 to index
      %get3A_1103 = arith.constant 32 : index
      %get3A_1104 = tpu.vector_load %arg11[%get3A_1102, %get3A_1103] {strides = array<i32>} : memref<512x64xf32, #tpu.memory_space<vmem>>, vector<16xf32>,
      %get3A_1105 = arith.index_cast %add3A_1073 : i32 to index
      %get3A_1106 = arith.constant 32 : index
      %get3A_1107 = tpu.vector_load %arg12[%get3A_1105, %get3A_1106] {strides = array<i32>} : memref<512x64xf32, #tpu.memory_space<vmem>>, vector<16xf32>,
      %add3A_1108 = arith.addf %get3A_1104, %get3A_1107 : vector<16xf32>
      %get3A_1109 = arith.index_cast %add3A_1073 : i32 to index
      %get3A_1110 = arith.constant 32 : index
      %get3A_1111 = tpu.vector_load %arg13[%get3A_1109, %get3A_1110] {strides = array<i32>} : memref<512x64xf32, #tpu.memory_space<vmem>>, vector<16xf32>,
      %sub3A_1112 = arith.subf %add3A_1108, %get3A_1111 : vector<16xf32>
      %mul3A_1113 = arith.mulf %sub3A_1112, %sub3A_1112 : vector<16xf32>
      %add3A_1114 = arith.addf %add3A_1101, %mul3A_1113 : vector<16xf32>
      %get3A_1115 = arith.index_cast %add3A_1073 : i32 to index
      %get3A_1116 = arith.constant 48 : index
      %get3A_1117 = tpu.vector_load %arg11[%get3A_1115, %get3A_1116] {strides = array<i32>} : memref<512x64xf32, #tpu.memory_space<vmem>>, vector<16xf32>,
      %get3A_1118 = arith.index_cast %add3A_1073 : i32 to index
      %get3A_1119 = arith.constant 48 : index
      %get3A_1120 = tpu.vector_load %arg12[%get3A_1118, %get3A_1119] {strides = array<i32>} : memref<512x64xf32, #tpu.memory_space<vmem>>, vector<16xf32>,
      %add3A_1121 = arith.addf %get3A_1117, %get3A_1120 : vector<16xf32>
      %get3A_1122 = arith.index_cast %add3A_1073 : i32 to index
      %get3A_1123 = arith.constant 48 : index
      %get3A_1124 = tpu.vector_load %arg13[%get3A_1122, %get3A_1123] {strides = array<i32>} : memref<512x64xf32, #tpu.memory_space<vmem>>, vector<16xf32>,
      %sub3A_1125 = arith.subf %add3A_1121, %get3A_1124 : vector<16xf32>
      %mul3A_1126 = arith.mulf %sub3A_1125, %sub3A_1125 : vector<16xf32>
      %add3A_1127 = arith.addf %add3A_1114, %mul3A_1126 : vector<16xf32>
      %swap3A_1128 = arith.constant 13 : i32
      %swap3A_1129 = arith.index_cast %swap3A_1128 : i32 to index
      %swap3A_1130 = arith.constant 0 : index
      %swap3A_1131 = tpu.vector_load %arg14[%swap3A_1129, %swap3A_1130] {strides = array<i32>} : memref<16x17xf32, #tpu.memory_space<vmem>>, vector<16xf32>,
      tpu.vector_store %arg14[%swap3A_1129, %swap3A_1130], %add3A_1127 {strides = array<i32>} : memref<16x17xf32, #tpu.memory_space<vmem>>, vector<16xf32>,
      %mul3A_1132 = arith.constant 16 : i32
      %mul3A_1133 = arith.muli %scan3A_266, %mul3A_1132 : i32
      %add3A_1134 = arith.constant 14 : i32
      %add3A_1135 = arith.addi %mul3A_1133, %add3A_1134 : i32
      %broadcast_in_dim3A_1136 = arith.constant 0.000000e+00 : f32
      %broadcast_in_dim3A_1137 = vector.broadcast %broadcast_in_dim3A_1136 : f32 to vector<16xf32>
      %get3A_1138 = arith.index_cast %add3A_1135 : i32 to index
      %get3A_1139 = arith.constant 0 : index
      %get3A_1140 = tpu.vector_load %arg11[%get3A_1138, %get3A_1139] {strides = array<i32>} : memref<512x64xf32, #tpu.memory_space<vmem>>, vector<16xf32>,
      %get3A_1141 = arith.index_cast %add3A_1135 : i32 to index
      %get3A_1142 = arith.constant 0 : index
      %get3A_1143 = tpu.vector_load %arg12[%get3A_1141, %get3A_1142] {strides = array<i32>} : memref<512x64xf32, #tpu.memory_space<vmem>>, vector<16xf32>,
      %add3A_1144 = arith.addf %get3A_1140, %get3A_1143 : vector<16xf32>
      %get3A_1145 = arith.index_cast %add3A_1135 : i32 to index
      %get3A_1146 = arith.constant 0 : index
      %get3A_1147 = tpu.vector_load %arg13[%get3A_1145, %get3A_1146] {strides = array<i32>} : memref<512x64xf32, #tpu.memory_space<vmem>>, vector<16xf32>,
      %sub3A_1148 = arith.subf %add3A_1144, %get3A_1147 : vector<16xf32>
      %mul3A_1149 = arith.mulf %sub3A_1148, %sub3A_1148 : vector<16xf32>
      %add3A_1150 = arith.addf %broadcast_in_dim3A_1137, %mul3A_1149 : vector<16xf32>
      %get3A_1151 = arith.index_cast %add3A_1135 : i32 to index
      %get3A_1152 = arith.constant 16 : index
      %get3A_1153 = tpu.vector_load %arg11[%get3A_1151, %get3A_1152] {strides = array<i32>} : memref<512x64xf32, #tpu.memory_space<vmem>>, vector<16xf32>,
      %get3A_1154 = arith.index_cast %add3A_1135 : i32 to index
      %get3A_1155 = arith.constant 16 : index
      %get3A_1156 = tpu.vector_load %arg12[%get3A_1154, %get3A_1155] {strides = array<i32>} : memref<512x64xf32, #tpu.memory_space<vmem>>, vector<16xf32>,
      %add3A_1157 = arith.addf %get3A_1153, %get3A_1156 : vector<16xf32>
      %get3A_1158 = arith.index_cast %add3A_1135 : i32 to index
      %get3A_1159 = arith.constant 16 : index
      %get3A_1160 = tpu.vector_load %arg13[%get3A_1158, %get3A_1159] {strides = array<i32>} : memref<512x64xf32, #tpu.memory_space<vmem>>, vector<16xf32>,
      %sub3A_1161 = arith.subf %add3A_1157, %get3A_1160 : vector<16xf32>
      %mul3A_1162 = arith.mulf %sub3A_1161, %sub3A_1161 : vector<16xf32>
      %add3A_1163 = arith.addf %add3A_1150, %mul3A_1162 : vector<16xf32>
      %get3A_1164 = arith.index_cast %add3A_1135 : i32 to index
      %get3A_1165 = arith.constant 32 : index
      %get3A_1166 = tpu.vector_load %arg11[%get3A_1164, %get3A_1165] {strides = array<i32>} : memref<512x64xf32, #tpu.memory_space<vmem>>, vector<16xf32>,
      %get3A_1167 = arith.index_cast %add3A_1135 : i32 to index
      %get3A_1168 = arith.constant 32 : index
      %get3A_1169 = tpu.vector_load %arg12[%get3A_1167, %get3A_1168] {strides = array<i32>} : memref<512x64xf32, #tpu.memory_space<vmem>>, vector<16xf32>,
      %add3A_1170 = arith.addf %get3A_1166, %get3A_1169 : vector<16xf32>
      %get3A_1171 = arith.index_cast %add3A_1135 : i32 to index
      %get3A_1172 = arith.constant 32 : index
      %get3A_1173 = tpu.vector_load %arg13[%get3A_1171, %get3A_1172] {strides = array<i32>} : memref<512x64xf32, #tpu.memory_space<vmem>>, vector<16xf32>,
      %sub3A_1174 = arith.subf %add3A_1170, %get3A_1173 : vector<16xf32>
      %mul3A_1175 = arith.mulf %sub3A_1174, %sub3A_1174 : vector<16xf32>
      %add3A_1176 = arith.addf %add3A_1163, %mul3A_1175 : vector<16xf32>
      %get3A_1177 = arith.index_cast %add3A_1135 : i32 to index
      %get3A_1178 = arith.constant 48 : index
      %get3A_1179 = tpu.vector_load %arg11[%get3A_1177, %get3A_1178] {strides = array<i32>} : memref<512x64xf32, #tpu.memory_space<vmem>>, vector<16xf32>,
      %get3A_1180 = arith.index_cast %add3A_1135 : i32 to index
      %get3A_1181 = arith.constant 48 : index
      %get3A_1182 = tpu.vector_load %arg12[%get3A_1180, %get3A_1181] {strides = array<i32>} : memref<512x64xf32, #tpu.memory_space<vmem>>, vector<16xf32>,
      %add3A_1183 = arith.addf %get3A_1179, %get3A_1182 : vector<16xf32>
      %get3A_1184 = arith.index_cast %add3A_1135 : i32 to index
      %get3A_1185 = arith.constant 48 : index
      %get3A_1186 = tpu.vector_load %arg13[%get3A_1184, %get3A_1185] {strides = array<i32>} : memref<512x64xf32, #tpu.memory_space<vmem>>, vector<16xf32>,
      %sub3A_1187 = arith.subf %add3A_1183, %get3A_1186 : vector<16xf32>
      %mul3A_1188 = arith.mulf %sub3A_1187, %sub3A_1187 : vector<16xf32>
      %add3A_1189 = arith.addf %add3A_1176, %mul3A_1188 : vector<16xf32>
      %swap3A_1190 = arith.constant 14 : i32
      %swap3A_1191 = arith.index_cast %swap3A_1190 : i32 to index
      %swap3A_1192 = arith.constant 0 : index
      %swap3A_1193 = tpu.vector_load %arg14[%swap3A_1191, %swap3A_1192] {strides = array<i32>} : memref<16x17xf32, #tpu.memory_space<vmem>>, vector<16xf32>,
      tpu.vector_store %arg14[%swap3A_1191, %swap3A_1192], %add3A_1189 {strides = array<i32>} : memref<16x17xf32, #tpu.memory_space<vmem>>, vector<16xf32>,
      %mul3A_1194 = arith.constant 16 : i32
      %mul3A_1195 = arith.muli %scan3A_266, %mul3A_1194 : i32
      %add3A_1196 = arith.constant 15 : i32
      %add3A_1197 = arith.addi %mul3A_1195, %add3A_1196 : i32
      %broadcast_in_dim3A_1198 = arith.constant 0.000000e+00 : f32
      %broadcast_in_dim3A_1199 = vector.broadcast %broadcast_in_dim3A_1198 : f32 to vector<16xf32>
      %get3A_1200 = arith.index_cast %add3A_1197 : i32 to index
      %get3A_1201 = arith.constant 0 : index
      %get3A_1202 = tpu.vector_load %arg11[%get3A_1200, %get3A_1201] {strides = array<i32>} : memref<512x64xf32, #tpu.memory_space<vmem>>, vector<16xf32>,
      %get3A_1203 = arith.index_cast %add3A_1197 : i32 to index
      %get3A_1204 = arith.constant 0 : index
      %get3A_1205 = tpu.vector_load %arg12[%get3A_1203, %get3A_1204] {strides = array<i32>} : memref<512x64xf32, #tpu.memory_space<vmem>>, vector<16xf32>,
      %add3A_1206 = arith.addf %get3A_1202, %get3A_1205 : vector<16xf32>
      %get3A_1207 = arith.index_cast %add3A_1197 : i32 to index
      %get3A_1208 = arith.constant 0 : index
      %get3A_1209 = tpu.vector_load %arg13[%get3A_1207, %get3A_1208] {strides = array<i32>} : memref<512x64xf32, #tpu.memory_space<vmem>>, vector<16xf32>,
      %sub3A_1210 = arith.subf %add3A_1206, %get3A_1209 : vector<16xf32>
      %mul3A_1211 = arith.mulf %sub3A_1210, %sub3A_1210 : vector<16xf32>
      %add3A_1212 = arith.addf %broadcast_in_dim3A_1199, %mul3A_1211 : vector<16xf32>
      %get3A_1213 = arith.index_cast %add3A_1197 : i32 to index
      %get3A_1214 = arith.constant 16 : index
      %get3A_1215 = tpu.vector_load %arg11[%get3A_1213, %get3A_1214] {strides = array<i32>} : memref<512x64xf32, #tpu.memory_space<vmem>>, vector<16xf32>,
      %get3A_1216 = arith.index_cast %add3A_1197 : i32 to index
      %get3A_1217 = arith.constant 16 : index
      %get3A_1218 = tpu.vector_load %arg12[%get3A_1216, %get3A_1217] {strides = array<i32>} : memref<512x64xf32, #tpu.memory_space<vmem>>, vector<16xf32>,
      %add3A_1219 = arith.addf %get3A_1215, %get3A_1218 : vector<16xf32>
      %get3A_1220 = arith.index_cast %add3A_1197 : i32 to index
      %get3A_1221 = arith.constant 16 : index
      %get3A_1222 = tpu.vector_load %arg13[%get3A_1220, %get3A_1221] {strides = array<i32>} : memref<512x64xf32, #tpu.memory_space<vmem>>, vector<16xf32>,
      %sub3A_1223 = arith.subf %add3A_1219, %get3A_1222 : vector<16xf32>
      %mul3A_1224 = arith.mulf %sub3A_1223, %sub3A_1223 : vector<16xf32>
      %add3A_1225 = arith.addf %add3A_1212, %mul3A_1224 : vector<16xf32>
      %get3A_1226 = arith.index_cast %add3A_1197 : i32 to index
      %get3A_1227 = arith.constant 32 : index
      %get3A_1228 = tpu.vector_load %arg11[%get3A_1226, %get3A_1227] {strides = array<i32>} : memref<512x64xf32, #tpu.memory_space<vmem>>, vector<16xf32>,
      %get3A_1229 = arith.index_cast %add3A_1197 : i32 to index
      %get3A_1230 = arith.constant 32 : index
      %get3A_1231 = tpu.vector_load %arg12[%get3A_1229, %get3A_1230] {strides = array<i32>} : memref<512x64xf32, #tpu.memory_space<vmem>>, vector<16xf32>,
      %add3A_1232 = arith.addf %get3A_1228, %get3A_1231 : vector<16xf32>
      %get3A_1233 = arith.index_cast %add3A_1197 : i32 to index
      %get3A_1234 = arith.constant 32 : index
      %get3A_1235 = tpu.vector_load %arg13[%get3A_1233, %get3A_1234] {strides = array<i32>} : memref<512x64xf32, #tpu.memory_space<vmem>>, vector<16xf32>,
      %sub3A_1236 = arith.subf %add3A_1232, %get3A_1235 : vector<16xf32>
      %mul3A_1237 = arith.mulf %sub3A_1236, %sub3A_1236 : vector<16xf32>
      %add3A_1238 = arith.addf %add3A_1225, %mul3A_1237 : vector<16xf32>
      %get3A_1239 = arith.index_cast %add3A_1197 : i32 to index
      %get3A_1240 = arith.constant 48 : index
      %get3A_1241 = tpu.vector_load %arg11[%get3A_1239, %get3A_1240] {strides = array<i32>} : memref<512x64xf32, #tpu.memory_space<vmem>>, vector<16xf32>,
      %get3A_1242 = arith.index_cast %add3A_1197 : i32 to index
      %get3A_1243 = arith.constant 48 : index
      %get3A_1244 = tpu.vector_load %arg12[%get3A_1242, %get3A_1243] {strides = array<i32>} : memref<512x64xf32, #tpu.memory_space<vmem>>, vector<16xf32>,
      %add3A_1245 = arith.addf %get3A_1241, %get3A_1244 : vector<16xf32>
      %get3A_1246 = arith.index_cast %add3A_1197 : i32 to index
      %get3A_1247 = arith.constant 48 : index
      %get3A_1248 = tpu.vector_load %arg13[%get3A_1246, %get3A_1247] {strides = array<i32>} : memref<512x64xf32, #tpu.memory_space<vmem>>, vector<16xf32>,
      %sub3A_1249 = arith.subf %add3A_1245, %get3A_1248 : vector<16xf32>
      %mul3A_1250 = arith.mulf %sub3A_1249, %sub3A_1249 : vector<16xf32>
      %add3A_1251 = arith.addf %add3A_1238, %mul3A_1250 : vector<16xf32>
      %swap3A_1252 = arith.constant 15 : i32
      %swap3A_1253 = arith.index_cast %swap3A_1252 : i32 to index
      %swap3A_1254 = arith.constant 0 : index
      %swap3A_1255 = tpu.vector_load %arg14[%swap3A_1253, %swap3A_1254] {strides = array<i32>} : memref<16x17xf32, #tpu.memory_space<vmem>>, vector<16xf32>,
      tpu.vector_store %arg14[%swap3A_1253, %swap3A_1254], %add3A_1251 {strides = array<i32>} : memref<16x17xf32, #tpu.memory_space<vmem>>, vector<16xf32>,
      %broadcast_in_dim3A_1256 = arith.constant 0.000000e+00 : f32
      %broadcast_in_dim3A_1257 = vector.broadcast %broadcast_in_dim3A_1256 : f32 to vector<16xf32>
      %broadcast_in_dim3A_1258 = arith.constant 0 : i32
      %broadcast_in_dim3A_1259 = vector.broadcast %broadcast_in_dim3A_1258 : i32 to vector<16xi32>
      %gather3A = tpu.vector_load_idx %arg14[%iota3A, %broadcast_in_dim3A_1259] : memref<16x17xf32, #tpu.memory_space<vmem>>[vector<16xi32>, vector<16xi32>], vector<16xf32>,
      %add3A_1260 = arith.addf %broadcast_in_dim3A_1257, %gather3A : vector<16xf32>
      %broadcast_in_dim3A_1261 = arith.constant 1 : i32
      %broadcast_in_dim3A_1262 = vector.broadcast %broadcast_in_dim3A_1261 : i32 to vector<16xi32>
      %gather3A_1263 = tpu.vector_load_idx %arg14[%iota3A, %broadcast_in_dim3A_1262] : memref<16x17xf32, #tpu.memory_space<vmem>>[vector<16xi32>, vector<16xi32>], vector<16xf32>,
      %add3A_1264 = arith.addf %add3A_1260, %gather3A_1263 : vector<16xf32>
      %broadcast_in_dim3A_1265 = arith.constant 2 : i32
      %broadcast_in_dim3A_1266 = vector.broadcast %broadcast_in_dim3A_1265 : i32 to vector<16xi32>
      %gather3A_1267 = tpu.vector_load_idx %arg14[%iota3A, %broadcast_in_dim3A_1266] : memref<16x17xf32, #tpu.memory_space<vmem>>[vector<16xi32>, vector<16xi32>], vector<16xf32>,
      %add3A_1268 = arith.addf %add3A_1264, %gather3A_1267 : vector<16xf32>
      %broadcast_in_dim3A_1269 = arith.constant 3 : i32
      %broadcast_in_dim3A_1270 = vector.broadcast %broadcast_in_dim3A_1269 : i32 to vector<16xi32>
      %gather3A_1271 = tpu.vector_load_idx %arg14[%iota3A, %broadcast_in_dim3A_1270] : memref<16x17xf32, #tpu.memory_space<vmem>>[vector<16xi32>, vector<16xi32>], vector<16xf32>,
      %add3A_1272 = arith.addf %add3A_1268, %gather3A_1271 : vector<16xf32>
      %broadcast_in_dim3A_1273 = arith.constant 4 : i32
      %broadcast_in_dim3A_1274 = vector.broadcast %broadcast_in_dim3A_1273 : i32 to vector<16xi32>
      %gather3A_1275 = tpu.vector_load_idx %arg14[%iota3A, %broadcast_in_dim3A_1274] : memref<16x17xf32, #tpu.memory_space<vmem>>[vector<16xi32>, vector<16xi32>], vector<16xf32>,
      %add3A_1276 = arith.addf %add3A_1272, %gather3A_1275 : vector<16xf32>
      %broadcast_in_dim3A_1277 = arith.constant 5 : i32
      %broadcast_in_dim3A_1278 = vector.broadcast %broadcast_in_dim3A_1277 : i32 to vector<16xi32>
      %gather3A_1279 = tpu.vector_load_idx %arg14[%iota3A, %broadcast_in_dim3A_1278] : memref<16x17xf32, #tpu.memory_space<vmem>>[vector<16xi32>, vector<16xi32>], vector<16xf32>,
      %add3A_1280 = arith.addf %add3A_1276, %gather3A_1279 : vector<16xf32>
      %broadcast_in_dim3A_1281 = arith.constant 6 : i32
      %broadcast_in_dim3A_1282 = vector.broadcast %broadcast_in_dim3A_1281 : i32 to vector<16xi32>
      %gather3A_1283 = tpu.vector_load_idx %arg14[%iota3A, %broadcast_in_dim3A_1282] : memref<16x17xf32, #tpu.memory_space<vmem>>[vector<16xi32>, vector<16xi32>], vector<16xf32>,
      %add3A_1284 = arith.addf %add3A_1280, %gather3A_1283 : vector<16xf32>
      %broadcast_in_dim3A_1285 = arith.constant 7 : i32
      %broadcast_in_dim3A_1286 = vector.broadcast %broadcast_in_dim3A_1285 : i32 to vector<16xi32>
      %gather3A_1287 = tpu.vector_load_idx %arg14[%iota3A, %broadcast_in_dim3A_1286] : memref<16x17xf32, #tpu.memory_space<vmem>>[vector<16xi32>, vector<16xi32>], vector<16xf32>,
      %add3A_1288 = arith.addf %add3A_1284, %gather3A_1287 : vector<16xf32>
      %broadcast_in_dim3A_1289 = arith.constant 8 : i32
      %broadcast_in_dim3A_1290 = vector.broadcast %broadcast_in_dim3A_1289 : i32 to vector<16xi32>
      %gather3A_1291 = tpu.vector_load_idx %arg14[%iota3A, %broadcast_in_dim3A_1290] : memref<16x17xf32, #tpu.memory_space<vmem>>[vector<16xi32>, vector<16xi32>], vector<16xf32>,
      %add3A_1292 = arith.addf %add3A_1288, %gather3A_1291 : vector<16xf32>
      %broadcast_in_dim3A_1293 = arith.constant 9 : i32
      %broadcast_in_dim3A_1294 = vector.broadcast %broadcast_in_dim3A_1293 : i32 to vector<16xi32>
      %gather3A_1295 = tpu.vector_load_idx %arg14[%iota3A, %broadcast_in_dim3A_1294] : memref<16x17xf32, #tpu.memory_space<vmem>>[vector<16xi32>, vector<16xi32>], vector<16xf32>,
      %add3A_1296 = arith.addf %add3A_1292, %gather3A_1295 : vector<16xf32>
      %broadcast_in_dim3A_1297 = arith.constant 10 : i32
      %broadcast_in_dim3A_1298 = vector.broadcast %broadcast_in_dim3A_1297 : i32 to vector<16xi32>
      %gather3A_1299 = tpu.vector_load_idx %arg14[%iota3A, %broadcast_in_dim3A_1298] : memref<16x17xf32, #tpu.memory_space<vmem>>[vector<16xi32>, vector<16xi32>], vector<16xf32>,
      %add3A_1300 = arith.addf %add3A_1296, %gather3A_1299 : vector<16xf32>
      %broadcast_in_dim3A_1301 = arith.constant 11 : i32
      %broadcast_in_dim3A_1302 = vector.broadcast %broadcast_in_dim3A_1301 : i32 to vector<16xi32>
      %gather3A_1303 = tpu.vector_load_idx %arg14[%iota3A, %broadcast_in_dim3A_1302] : memref<16x17xf32, #tpu.memory_space<vmem>>[vector<16xi32>, vector<16xi32>], vector<16xf32>,
      %add3A_1304 = arith.addf %add3A_1300, %gather3A_1303 : vector<16xf32>
      %broadcast_in_dim3A_1305 = arith.constant 12 : i32
      %broadcast_in_dim3A_1306 = vector.broadcast %broadcast_in_dim3A_1305 : i32 to vector<16xi32>
      %gather3A_1307 = tpu.vector_load_idx %arg14[%iota3A, %broadcast_in_dim3A_1306] : memref<16x17xf32, #tpu.memory_space<vmem>>[vector<16xi32>, vector<16xi32>], vector<16xf32>,
      %add3A_1308 = arith.addf %add3A_1304, %gather3A_1307 : vector<16xf32>
      %broadcast_in_dim3A_1309 = arith.constant 13 : i32
      %broadcast_in_dim3A_1310 = vector.broadcast %broadcast_in_dim3A_1309 : i32 to vector<16xi32>
      %gather3A_1311 = tpu.vector_load_idx %arg14[%iota3A, %broadcast_in_dim3A_1310] : memref<16x17xf32, #tpu.memory_space<vmem>>[vector<16xi32>, vector<16xi32>], vector<16xf32>,
      %add3A_1312 = arith.addf %add3A_1308, %gather3A_1311 : vector<16xf32>
      %broadcast_in_dim3A_1313 = arith.constant 14 : i32
      %broadcast_in_dim3A_1314 = vector.broadcast %broadcast_in_dim3A_1313 : i32 to vector<16xi32>
      %gather3A_1315 = tpu.vector_load_idx %arg14[%iota3A, %broadcast_in_dim3A_1314] : memref<16x17xf32, #tpu.memory_space<vmem>>[vector<16xi32>, vector<16xi32>], vector<16xf32>,
      %add3A_1316 = arith.addf %add3A_1312, %gather3A_1315 : vector<16xf32>
      %broadcast_in_dim3A_1317 = arith.constant 15 : i32
      %broadcast_in_dim3A_1318 = vector.broadcast %broadcast_in_dim3A_1317 : i32 to vector<16xi32>
      %gather3A_1319 = tpu.vector_load_idx %arg14[%iota3A, %broadcast_in_dim3A_1318] : memref<16x17xf32, #tpu.memory_space<vmem>>[vector<16xi32>, vector<16xi32>], vector<16xf32>,
      %add3A_1320 = arith.addf %add3A_1316, %gather3A_1319 : vector<16xf32>
      %max3A = arith.constant 1.000000e-30 : f32
      %max3A_1321 = vector.broadcast %max3A : f32 to vector<16xf32>
      %max3A_1322 = arith.maximumf %add3A_1320, %max3A_1321 : vector<16xf32>
      %bitcast3A = vector.bitcast %max3A_1322 : vector<16xf32> to vector<16xi32>
      %shift_right_arithmetic3A = arith.constant 1 : i32
      %shift_right_arithmetic3A_1323 = vector.broadcast %shift_right_arithmetic3A : i32 to vector<16xi32>
      %shift_right_arithmetic3A_1324 = arith.shrsi %bitcast3A, %shift_right_arithmetic3A_1323 : vector<16xi32>
      %sub3A_1325 = arith.constant 1597463007 : i32
      %sub3A_1326 = vector.broadcast %sub3A_1325 : i32 to vector<16xi32>
      %sub3A_1327 = arith.subi %sub3A_1326, %shift_right_arithmetic3A_1324 : vector<16xi32>
      %bitcast3A_1328 = vector.bitcast %sub3A_1327 : vector<16xi32> to vector<16xf32>
      %mul3A_1329 = arith.constant 5.000000e-01 : f32
      %mul3A_1330 = vector.broadcast %mul3A_1329 : f32 to vector<16xf32>
      %mul3A_1331 = arith.mulf %max3A_1322, %mul3A_1330 : vector<16xf32>
      %mul3A_1332 = arith.mulf %mul3A_1331, %bitcast3A_1328 : vector<16xf32>
      %mul3A_1333 = arith.mulf %mul3A_1332, %bitcast3A_1328 : vector<16xf32>
      %sub3A_1334 = arith.constant 1.500000e+00 : f32
      %sub3A_1335 = vector.broadcast %sub3A_1334 : f32 to vector<16xf32>
      %sub3A_1336 = arith.subf %sub3A_1335, %mul3A_1333 : vector<16xf32>
      %mul3A_1337 = arith.mulf %bitcast3A_1328, %sub3A_1336 : vector<16xf32>
      %mul3A_1338 = arith.mulf %mul3A_1331, %mul3A_1337 : vector<16xf32>
      %mul3A_1339 = arith.mulf %mul3A_1338, %mul3A_1337 : vector<16xf32>
      %sub3A_1340 = arith.constant 1.500000e+00 : f32
      %sub3A_1341 = vector.broadcast %sub3A_1340 : f32 to vector<16xf32>
      %sub3A_1342 = arith.subf %sub3A_1341, %mul3A_1339 : vector<16xf32>
      %mul3A_1343 = arith.mulf %mul3A_1337, %sub3A_1342 : vector<16xf32>
      %mul3A_1344 = arith.mulf %mul3A_1331, %mul3A_1343 : vector<16xf32>
      %mul3A_1345 = arith.mulf %mul3A_1344, %mul3A_1343 : vector<16xf32>
      %sub3A_1346 = arith.constant 1.500000e+00 : f32
      %sub3A_1347 = vector.broadcast %sub3A_1346 : f32 to vector<16xf32>
      %sub3A_1348 = arith.subf %sub3A_1347, %mul3A_1345 : vector<16xf32>
      %mul3A_1349 = arith.mulf %mul3A_1343, %sub3A_1348 : vector<16xf32>
      %mul3A_1350 = arith.mulf %add3A_1320, %mul3A_1349 : vector<16xf32>
      %neg3A = arith.constant 0.000000e+00 : f32
      %neg3A_1351 = vector.broadcast %neg3A : f32 to vector<16xf32>
      %neg3A_1352 = arith.subf %neg3A_1351, %mul3A_1350 : vector<16xf32>
      %mul3A_1353 = arith.constant 16 : i32
      %mul3A_1354 = arith.muli %scan3A_266, %mul3A_1353 : i32
      %swap3A_1355 = arith.index_cast %mul3A_1354 : i32 to index
      %swap3A_1356 = tpu.vector_load %arg15[%swap3A_1355] {strides = array<i32>} : memref<512xf32, #tpu.memory_space<vmem>>, vector<16xf32>,
      tpu.vector_store %arg15[%swap3A_1355], %neg3A_1352 {strides = array<i32>} : memref<512xf32, #tpu.memory_space<vmem>>, vector<16xf32>,
      %scan3A_1357 = arith.constant 0 : i32
      scf.yield %scan3A_1357 : i32
    }
    %scan3A_265 = arith.constant 32 : i32
    "tpu.region"() ({
      %run_scoped3A_266 = tpu.sem_alloc : memref<!tpu.dma_semaphore, #tpu.memory_space<semaphore_mem>>
      %dma_start3A_267 = tpu.memref_slice %arg7[%mul3A_2] : memref<16384xf32, #tpu.memory_space<hbm>> -> memref<512xf32, #tpu.memory_space<hbm>>
      %dma_start3A_268 = tpu.memref_slice %arg7[%mul3A_2] : memref<16384xf32, #tpu.memory_space<hbm>> -> memref<512xf32, #tpu.memory_space<hbm>>
      tpu.enqueue_dma source(%arg15 : memref<512xf32, #tpu.memory_space<vmem>>) target(%dma_start3A_268 : memref<512xf32, #tpu.memory_space<hbm>>) target_semaphore(%run_scoped3A_266 : memref<!tpu.dma_semaphore, #tpu.memory_space<semaphore_mem>>)
      %dma_wait3A_269 = tpu.memref_slice %arg7[%mul3A_2] : memref<16384xf32, #tpu.memory_space<hbm>> -> memref<512xf32, #tpu.memory_space<hbm>>
      %dma_wait3A_270 = tpu.memref_slice %arg7[%mul3A_2] : memref<16384xf32, #tpu.memory_space<hbm>> -> memref<512xf32, #tpu.memory_space<hbm>>
      tpu.wait_dma2 semaphore(%run_scoped3A_266 : memref<!tpu.dma_semaphore, #tpu.memory_space<semaphore_mem>>) src(%arg15 : memref<512xf32, #tpu.memory_space<vmem>>) dst(%dma_wait3A_270 : memref<512xf32, #tpu.memory_space<hbm>>)
      tpu.yield
    }) : () -> ()
    return
  }
}

</mosaic_0001>

<sc_bundles>
// kernel: _transe_scores.3.cloned.1.call-start
scs
__scs_entry_jumppad:
0x0: {  	(pc) =	sbr.rel $0x88, $3  }
0x1: {  	(tag) =	ssettag $0x0;
	lr =	simm.s32 $0x1  }
0x2: {  	[smem:$0x3F9C] =	sst lr;
	_ =	strace $0xD0000000  }
0x3: {  	_ = 	snop  }
0x4: {  	_ = 	snop  }
0x5: {  	_ = 	snop  }
0x6: {  	_ = 	snop  }
0x7: {  	_ = 	snop  }
__scs_overlays_trampoline_lowered:
0x8: {  	[smem:$0x3FAB] =	sst s0  }
0x9: {  	[smem:$0x3FAC] =	sst s1  }
0xa: {  	[smem:$0x3FAD] =	sst s2  }
0xb: {  	[smem:$0x3FAE] =	sst s3  }
0xc: {  	[smem:$0x3FAF] =	sst s4  }
0xd: {  	[smem:$0x3FB0] =	sst s5  }
0xe: {  	[smem:$0x3FB1] =	sst s6  }
0xf: {  	[smem:$0x3FB2] =	sst s7  }
0x10: {  	[smem:$0x3FB3] =	sst s8  }
0x11: {  	[smem:$0x3FB4] =	sst s9;
	s0 =	simm.s32 @!p0 $0x0  }
0x12: {  	s1 =	sld [smem:$0x3F9A];
	s0 =	simm.s32 @p0 $0x1  }
0x13: {  	[smem:$0x3FB5] =	sst s0;
	s0 =	simm.s32 @!p1 $0x0  }
0x14: {  	s2 =	sld [smem:$0x3F99];
	s0 =	simm.s32 @p1 $0x1  }
0x15: {  	[smem:$0x3FB6] =	sst s0;
	s0 =	simm.s32 @!p2 $0x0  }
0x16: {  	s3 =	sld [smem:$0x3FDB];
	s0 =	simm.s32 @p2 $0x1  }
0x17: {  	s4 =	simm.s32 $0x1BF5;
	[smem:$0x3FB8] =	sst s0  }
0x18: {  	s0 =	sld [smem:$0x3F9B];
	_ =	swait.ge [sflag:s4], $0x0  }
0x19: {  	s7 =	sld [smem:$0x3F9C]  }
0x1a: {  	s8 =	sadd.s32 $0xFFFFE003, lr  }
0x1b: {  	s9 =	sadd.s32 $0xFFFFFEF7, lr;
	s5 =	simm.s32 $0xFFFFFFFF;
	p2 =	slt.u32 s8, $0xFFFFF086  }
0x1c: {  	p1 =	slt.u32 s9, $0xF7A;
	s5 =	simm.s32 @!p2 $0x0  }
0x1d: {  	s5 =	simm.s32 @p1 $0x1;
	p0 =	seq.s32 s7, s2  }
0x1e: {  	s7 =	smul.u32 @!p0 $0xF7A, s2;
	p2 =	seq.s32 @!p0 s5, $0x0  }
0x1f: {  	s9 =	smul.u32 $0xF7A, s1;
	s8 =	simm.s32 @!p0 $0x1BF5;
	p2 =	por !p2, p0  }
0x20: {  	[sflag:s8] =	ssyncset.s32 @!p0 $0xFFFFF086;
	s6 =	sadd.s32 @!p0 s3, s7;
	s7 =	simm.s32 @!p0 $0x108  }
0x21: {  	s3 =	sadd.s32 s3, s9;
	s6 =	sadd.s32 @!p0 $0x88, s6;
	s7 =	simm.s32 @p2 $0x1082  }
0x22: {  	[simem:s7], [sflag:s8] =	dma.local @!p0 [hbm:s6], $0xF7A  }
0x23: {  	s9 =	sor.u32 $0xD0000000, s2;
	s6 =	simm.s32 $0x108;
	_ =	swait.ge @!p0 [sflag:s8], $0x0  }
0x24: {  	s3 =	sadd.s32 $0x88, s3;
	s6 =	simm.s32 @!p1 $0x1082;
	[sflag:s4] =	ssyncset.s32 $0xFFFFF086  }
0x25: {  	[simem:s6], [sflag:s4] =	dma.local [hbm:s3], $0xF7A  }
0x26: {  	[smem:$0x3F9C] =	sst s1;
	(tag) =	ssettag s2;
	_ =	strace s9  }
0x27: {  	s1 =	sld [smem:$0x3FAC]  }
0x28: {  	s2 =	sld [smem:$0x3FAD]  }
0x29: {  	s4 =	sld [smem:$0x3FAF]  }
0x2a: {  	p0 =	seq.s32 s5, $0x0;
	s5 =	sld [smem:$0x3FB0]  }
0x2b: {  	s6 =	sld [smem:$0x3FB1]  }
0x2c: {  	s7 =	sld [smem:$0x3FB2]  }
0x2d: {  	s3 =	simm.s32 $0x108;
	s8 =	sld [smem:$0x3FB3]  }
0x2e: {  	s3 =	simm.s32 @!p0 $0x1082;
	s9 =	sld [smem:$0x3FB4]  }
0x2f: {  	lr =	sadd.s32 s0, s3;
	s0 =	sld [smem:$0x3FAB]  }
0x30: {  	s3 =	sld [smem:$0x3FAE]  }
0x31: {  	[smem:$0x3FB7] =	sst s10  }
0x32: {  	s10 =	sld [smem:$0x3FB5];
	_ =	sdelay $0x3  }
0x33: {  	p0 =	seq.s32 s10, $0x1;
	s10 =	sld [smem:$0x3FB7];
	_ =	sdelay $0x3  }
0x34: {  	[smem:$0x3FB7] =	sst s10  }
0x35: {  	s10 =	sld [smem:$0x3FB6];
	_ =	sdelay $0x3  }
0x36: {  	p1 =	seq.s32 s10, $0x1;
	s10 =	sld [smem:$0x3FB7];
	_ =	sdelay $0x3  }
0x37: {  	[smem:$0x3FB7] =	sst s10  }
0x38: {  	s10 =	sld [smem:$0x3FB8]  }
0x39: {  	_ = 	snop;
	(pc) =	sbr.ind lr, $3  }
0x3a: {  	_ = 	snop  }
0x3b: {  	_ = 	snop  }
0x3c: {  	p2 =	seq.s32 s10, $0x1;
	s10 =	sld [smem:$0x3FB7]  }
0x3d: {  	_ =	shalt  }
0x3e: {  	_ =	shalt  }
0x3f: {  	_ =	shalt  }
0x40: {  	_ =	shalt  }
0x41: {  	_ =	shalt  }
0x42: {  	_ =	shalt  }
0x43: {  	_ =	shalt  }
0x44: {  	_ =	shalt  }
0x45: {  	_ =	shalt  }
0x46: {  	_ =	shalt  }
0x47: {  	_ =	shalt  }
0x48: {  	_ =	shalt  }
0x49: {  	_ =	shalt  }
0x4a: {  	_ =	shalt  }
0x4b: {  	_ =	shalt  }
0x4c: {  	_ =	shalt  }
0x4d: {  	_ =	shalt  }
0x4e: {  	_ =	shalt  }
0x4f: {  	_ =	shalt  }
0x50: {  	_ =	shalt  }
0x51: {  	_ =	shalt  }
0x52: {  	_ =	shalt  }
0x53: {  	_ =	shalt  }
0x54: {  	_ =	shalt  }
0x55: {  	_ =	shalt  }
0x56: {  	_ =	shalt  }
0x57: {  	_ =	shalt  }
0x58: {  	_ =	shalt  }
0x59: {  	_ =	shalt  }
0x5a: {  	_ =	shalt  }
0x5b: {  	_ =	shalt  }
0x5c: {  	_ =	shalt  }
0x5d: {  	_ =	shalt  }
0x5e: {  	_ =	shalt  }
0x5f: {  	_ =	shalt  }
0x60: {  	_ =	shalt  }
0x61: {  	_ =	shalt  }
0x62: {  	_ =	shalt  }
0x63: {  	_ =	shalt  }
0x64: {  	_ =	shalt  }
0x65: {  	_ =	shalt  }
0x66: {  	_ =	shalt  }
0x67: {  	_ =	shalt  }
0x68: {  	_ =	shalt  }
0x69: {  	_ =	shalt  }
0x6a: {  	_ =	shalt  }
0x6b: {  	_ =	shalt  }
0x6c: {  	_ =	shalt  }
0x6d: {  	_ =	shalt  }
0x6e: {  	_ =	shalt  }
0x6f: {  	_ =	shalt  }
0x70: {  	_ =	shalt  }
0x71: {  	_ =	shalt  }
0x72: {  	_ =	shalt  }
0x73: {  	_ =	shalt  }
0x74: {  	_ =	shalt  }
0x75: {  	_ =	shalt  }
0x76: {  	_ =	shalt  }
0x77: {  	_ =	shalt  }
0x78: {  	_ =	shalt  }
0x79: {  	_ =	shalt  }
0x7a: {  	_ =	shalt  }
0x7b: {  	_ =	shalt  }
0x7c: {  	_ =	shalt  }
0x7d: {  	_ =	shalt  }
0x7e: {  	_ =	shalt  }
0x7f: {  	_ =	shalt  }
0x80: {  	_ =	shalt  }
0x81: {  	_ =	shalt  }
0x82: {  	_ =	shalt  }
0x83: {  	_ =	shalt  }
0x84: {  	_ =	shalt  }
0x85: {  	_ =	shalt  }
0x86: {  	_ =	shalt  }
0x87: {  	_ =	shalt  }
.Lfunc_end0:
.L_simem_size_0:
called_computation_lowered:
.L_overlay_start_0:
0x88: {  	s2 =	sld [smem:$0x3FD9]  }
0x89: {  	s3 =	sld [smem:$0x3FFE];
	_ =	sdelay $0x1  }
0x8a: {  	s1 =	srdreg.scid  }
0x8b: {  	s0 =	sand.u32 $0x1, s1  }
0x8c: {  	s17 =	sshll.u32 s0, $0xA;
	s2 =	sadd.s32 s3, s2  }
0x8d: {  	s2 =	sadd.s32 s2, s17  }
0x8e: {  	[smem:$0x3FC3] =	sst s2  }
0x8f: {  	_ = 	snop  }
0x90: {  	s2 =	sld [smem:$0x3FC9]  }
0x91: {  	s18 =	sld [smem:$0x3FC8]  }
0x92: {  	s4 =	sld [smem:$0x3FC7]  }
0x93: {  	s5 =	sld [smem:$0x3FD0];
	(tm) =	ssettm $0x1  }
0x94: {  	s6 =	sld [smem:$0x3FFB];
	_ =	sdelay $0x3  }
0x95: {  	_ =	strace s6  }
0x96: {  	s6 =	sld [smem:$0x3FFC];
	_ =	sdelay $0x3  }
0x97: {  	_ =	strace s6  }
0x98: {  	s6 =	sld [smem:$0x3FFD];
	_ =	sdelay $0x3  }
0x99: {  	_ =	strace s6  }
0x9a: {  	_ =	strace $0x8FFFFFFF  }
0x9b: {  	s19 =	sld [smem:$0x3FDB];
	_ =	sdelay $0x1  }
0x9c: {  	s7 =	simm.s32 $_scs_section_size  }
0x9d: {  	s8 =	simm.s32 $_size__tile_overlayer_lowered;
	s9 =	simm.s32 $_tile_overlayer_lowered  }
0x9e: {  	s22 =	simm.s32 $0x1BFF;
	s21 =	sshll.u32 s9, $0x1;
	s6 =	sadd.s32 s7, s19  }
0x9f: {  	s10 =	simm.s32 $0x0;
	s20 =	sshll.u32 s8, $0x1;
	s8 =	sadd.s32 s21, s6  }
0xa0: {  	[timem:s10], [sflag:s22] =	dma.local [hbm:s8], s20  }
0xa1: {  	_ =	swait.ge [sflag:s22], s20  }
0xa2: {  	s7 =	ssub.s32 $0x0, s20;
	[sflag:s22] =	ssyncset.done $0x0  }
0xa3: {  	[sflag:s22] =	ssyncadd.s32 s7;
	_ =	sdelay $0x1  }
0xa4: {  	s23 =	simm.s32 $0x1B8B  }
0xa5: {  	_ =	swait.ge [sflag:s23], $0x1  }
0xa6: {  	[sflag:s23] =	ssyncset.done $0x0  }
0xa7: {  	s25 =	simm.s32 $0x1B8E;
	s24 =	sld [smem:$0x3FFE];
	[sflag:s23] =	ssyncadd.s32 $0xFFFFFFFF  }
0xa8: {  	s26 =	simm.s32 $execute0_lowered;
	[smem:$0x3FD2] =	sst s25  }
0xa9: {  	s8 =	sshll.u32 s26, $0x1;
	_ =	strace $0x80000046;
	[dreg:$0x1] =	wrdreg $0xFFFFFFFF  }
0xaa: {  	s28 =	simm.s32 $_size_execute0_lowered;
	s6 =	sadd.s32 s6, s8;
	[dreg:$0x0] =	wrdreg $0x0  }
0xab: {  	s8 =	sshll.u32 s28, $0x1;
	[dreg:$0x2] =	wrdreg s6  }
0xac: {  	[dreg:$0x3] =	wrdreg s8  }
0xad: {  	[dreg:$0x4] =	wrdreg $0xC0  }
0xae: {  	_ =	task [dreg:s10], $0x5FFFF  }
0xaf: {  	[dreg:$0x1] =	wrdreg $0xFFFFFFFF  }
0xb0: {  	[dreg:$0x0] =	wrdreg $0x60  }
0xb1: {  	[dreg:$0x2] =	wrdreg s2  }
0xb2: {  	[dreg:$0x3] =	wrdreg s18  }
0xb3: {  	[dreg:$0x4] =	wrdreg s4  }
0xb4: {  	[dreg:$0x5] =	wrdreg s24  }
0xb5: {  	[dreg:$0x6] =	wrdreg s5  }
0xb6: {  	[dreg:$0x7] =	wrdreg $0x9  }
0xb7: {  	_ =	task.clear_ibuf [dreg:s10], $0x8FFFF;
	_ =	strace $0x90000046  }
0xb8: {  	s29 =	simm.s32 $0x9;
	_ =	strace $0x80000048  }
0xb9: {  	_ =	swait.ge [sflag:s29], $0x1  }
0xba: {  	[sflag:s29] =	ssyncadd.s32 $0xFFFFFFFF  }
0xbb: {  	_ =	strace $0x90000048  }
0xbc: {  	_ =	sfence  }
0xbd: {  	s30 =	sld [smem:$0x0];
	_ =	sdelay $0x2  }
0xbe: {  	s31 =	sshll.u32 s1, $0xD;
	s1 =	sshrl.u32 s1, $0x2  }
0xbf: {  	s3 =	sand.u32 $0x4000, s31;
	s1 =	sadd.s32 s1, s30  }
0xc0: {  	s0 =	sor.u32 s3, s0;
	s1 =	sshll.u32 s1, $0x11  }
0xc1: {  	s0 =	sor.u32 s1, s0  }
0xc2: {  	s0 =	sadd.s32 $0x8F2B, s0  }
0xc3: {  	[sflag:s0] =	ssyncadd.remote.s32 $0x1  }
0xc4: {  	_ =	sfence.sel $0xFFFF  }
0xc5: {  	[dreg:$0x0] =	wrdreg $0xFFFFFFFF;
	(pc) =	sbr.abs _section_cstart, $3  }
0xc6: {  	[dreg:$0x1] =	wrdreg $0xFFFFFFFF  }
0xc7: {  	_ =	task.clear_ibuf [dreg:s10], $0x2FFFF;
	_ =	strace $0x9FFFFFFF  }
0xc8: {  	(tm) =	ssettm $0x7FFFFFFF  }
0xc9: {  	_ =	shalt  }
tec
execute0_lowered:
.L_overlay_start_1:
0x0: {  	(tag) =	ssettag $0x1  }
0x1: {  	s0 =	rddreg [dreg:$0x0]  }
0x2: {  	s2 =	rddreg [dreg:$0x1]  }
0x3: {  	s5 =	rddreg [dreg:$0x2]  }
0x4: {  	s4 =	rddreg [dreg:$0x3]  }
0x5: {  	s6 =	rddreg [dreg:$0x4];
	s1 =	simm.s32 $0x0;
	s3 =	srdreg.scid  }
0x6: {  	s10 =	stileid.u32;
	s19 =	simm.s32 $0x2;
	s20 =	simm.s32 $0x200  }
0x7: {  	s21 =	simm.s32 $0x400;
	s22 =	simm.s32 $0x80;
	s28 =	simm.s32 $0x500  }
0x8: {  	s29 =	simm.s32 $0x180;
	s30 =	simm.s32 $0x380;
	s31 =	simm.s32 $0x580  }
0x9: {  	[smem:$0x7FF] =	sst s1;
	s7 =	sand.u32 $0x1, s3;
	s3 =	sadd.s32 $0xF42A00, s4  }
0xa: {  	s10 =	sshll.u32 s10, $0x7;
	s8 =	ssub.s32 $0x2, s7;
	s7 =	sshll.u32 s7, $0x6  }
0xb: {  	s4 =	sadd.s32 $0x600, s4;
	s9 =	sshrl.u32 s8, $0x1;
	s7 =	sor.u32 s7, s10  }
0xc: {  	_ =	strace $0x80000047;
	s8 =	ssub.s32 s8, s9;
	s23 =	sadd.s32 s0, s7  }
0xd: {  	s24 =	sadd.s32 s2, s7;
	s10 =	sor.u32 $0x10, s7;
	[dreg:$0x6] =	wrdreg s23  }
0xe: {  	v0 =	vlaneseq.u32;
	s25 =	sadd.s32 s5, s7;
	s13 =	sor.u32 $0x20, s7;
	[dreg:$0x7] =	wrdreg s24  }
0xf: {  	v0 =	vmul.u32 $0x18, v0;
	s16 =	sor.u32 $0x30, s7;
	s17 =	sadd.s32 s6, s7;
	[dreg:$0x8] =	wrdreg s25  }
0x10: {  	s26 =	sadd.s32 s0, s10;
	s9 =	sadd.s32 s2, s10;
	s10 =	sadd.s32 s5, s10  }
0x11: {  	v1 =	vor.u32 $0x1, v0;
	v2 =	vor.u32 $0x2, v0;
	v3 =	vor.u32 $0x3, v0;
	s11 =	sadd.s32 s0, s13;
	s12 =	sadd.s32 s2, s13;
	s13 =	sadd.s32 s5, s13  }
0x12: {  	v4 =	vor.u32 $0x4, v0;
	v5 =	vor.u32 $0x5, v0;
	v6 =	vor.u32 $0x6, v0;
	s14 =	sadd.s32 s0, s16;
	s15 =	sadd.s32 s2, s16;
	s16 =	sadd.s32 s5, s16  }
0x13: {  	v7 =	vor.u32 $0x7, v0;
	v8 =	vadd.s32 $0x8, v0;
	v9 =	vadd.s32 $0x9, v0;
	s18 =	smax.u32 s8, $0x1;
	s23 =	simm.s32 $0x280;
	s24 =	simm.s32 $0x480  }
0x14: {  	v10 =	vadd.s32 $0xA, v0;
	v11 =	vadd.s32 $0xB, v0;
	v12 =	vadd.s32 $0xC, v0;
	s25 =	simm.s32 $0x100;
	s0 =	simm.s32 $0x1;
	s2 =	simm.s32 $0x18600  }
0x15: {  	v13 =	vadd.s32 $0xD, v0;
	v14 =	vadd.s32 $0xE, v0;
	v15 =	vadd.s32 $0xF, v0;
	s5 =	simm.s32 $0x0;
	[dreg:$0x9] =	wrdreg s26;
	s26 =	simm.s32 $0x300  }
.LBB2_1:
0x16: {  	s6 =	rddreg [dreg:$0x6]  }
0x17: {  	[tilespmem:s1], [sflag:$0x2] =	stream.linear.gather [hbm4b:s6+s1], $0x80, $0x38;
	[tilespmem:$0x18980] =	vst v63  }
0x18: {  	_ =	swait.ge [sflag:s19], $0x80  }
0x19: {  	[sflag:s19] =	ssyncset.done $0x0  }
0x1a: {  	s8 =	rddreg [dreg:$0x7];
	[sflag:s19] =	ssyncadd.s32 $0xFFFFFF80  }
0x1b: {  	[tilespmem:s20], [sflag:$0x2] =	stream.linear.gather [hbm4b:s8+s1], $0x80, $0x38;
	[tilespmem:$0x18980] =	vst v63  }
0x1c: {  	_ =	swait.ge [sflag:s19], $0x80  }
0x1d: {  	[sflag:s19] =	ssyncset.done $0x0  }
0x1e: {  	s7 =	rddreg [dreg:$0x8];
	[sflag:s19] =	ssyncadd.s32 $0xFFFFFF80  }
0x1f: {  	[tilespmem:s21], [sflag:$0x2] =	stream.linear.gather [hbm4b:s7+s1], $0x80, $0x38;
	[tilespmem:$0x18980] =	vst v63  }
0x20: {  	_ =	swait.ge [sflag:s19], $0x80  }
0x21: {  	[sflag:s19] =	ssyncset.done $0x0  }
0x22: {  	s8 =	rddreg [dreg:$0x9];
	[sflag:s19] =	ssyncadd.s32 $0xFFFFFF80  }
0x23: {  	[tilespmem:s22], [sflag:$0x2] =	stream.linear.gather [hbm4b:s8+s1], $0x80, $0x38;
	[tilespmem:$0x18980] =	vst v63  }
0x24: {  	_ =	swait.ge [sflag:s19], $0x80  }
0x25: {  	[sflag:s19] =	ssyncset.done $0x0  }
0x26: {  	[sflag:s19] =	ssyncadd.s32 $0xFFFFFF80  }
0x27: {  	[tilespmem:s23], [sflag:$0x2] =	stream.linear.gather [hbm4b:s9+s1], $0x80, $0x38;
	[tilespmem:$0x18980] =	vst v63  }
0x28: {  	_ =	swait.ge [sflag:s19], $0x80  }
0x29: {  	[sflag:s19] =	ssyncset.done $0x0  }
0x2a: {  	[sflag:s19] =	ssyncadd.s32 $0xFFFFFF80  }
0x2b: {  	[tilespmem:s24], [sflag:$0x2] =	stream.linear.gather [hbm4b:s10+s1], $0x80, $0x38;
	[tilespmem:$0x18980] =	vst v63  }
0x2c: {  	_ =	swait.ge [sflag:s19], $0x80  }
0x2d: {  	[sflag:s19] =	ssyncset.done $0x0  }
0x2e: {  	[sflag:s19] =	ssyncadd.s32 $0xFFFFFF80  }
0x2f: {  	[tilespmem:s25], [sflag:$0x2] =	stream.linear.gather [hbm4b:s11+s1], $0x80, $0x38;
	[tilespmem:$0x18980] =	vst v63  }
0x30: {  	_ =	swait.ge [sflag:s19], $0x80  }
0x31: {  	[sflag:s19] =	ssyncset.done $0x0  }
0x32: {  	[sflag:s19] =	ssyncadd.s32 $0xFFFFFF80  }
0x33: {  	[tilespmem:s26], [sflag:$0x2] =	stream.linear.gather [hbm4b:s12+s1], $0x80, $0x38;
	[tilespmem:$0x18980] =	vst v63  }
0x34: {  	_ =	swait.ge [sflag:s19], $0x80  }
0x35: {  	[sflag:s19] =	ssyncset.done $0x0  }
0x36: {  	[sflag:s19] =	ssyncadd.s32 $0xFFFFFF80  }
0x37: {  	[tilespmem:s28], [sflag:$0x2] =	stream.linear.gather [hbm4b:s13+s1], $0x80, $0x38;
	[tilespmem:$0x18980] =	vst v63  }
0x38: {  	_ =	swait.ge [sflag:s19], $0x80  }
0x39: {  	[sflag:s19] =	ssyncset.done $0x0  }
0x3a: {  	[sflag:s19] =	ssyncadd.s32 $0xFFFFFF80  }
0x3b: {  	[tilespmem:s29], [sflag:$0x2] =	stream.linear.gather [hbm4b:s14+s1], $0x80, $0x38;
	[tilespmem:$0x18980] =	vst v63  }
0x3c: {  	_ =	swait.ge [sflag:s19], $0x80  }
0x3d: {  	[sflag:s19] =	ssyncset.done $0x0  }
0x3e: {  	[sflag:s19] =	ssyncadd.s32 $0xFFFFFF80  }
0x3f: {  	[tilespmem:s30], [sflag:$0x2] =	stream.linear.gather [hbm4b:s15+s1], $0x80, $0x38;
	[tilespmem:$0x18980] =	vst v63  }
0x40: {  	_ =	swait.ge [sflag:s19], $0x80  }
0x41: {  	[sflag:s19] =	ssyncset.done $0x0  }
0x42: {  	[sflag:s19] =	ssyncadd.s32 $0xFFFFFF80  }
0x43: {  	[tilespmem:s31], [sflag:$0x2] =	stream.linear.gather [hbm4b:s16+s1], $0x80, $0x38;
	[tilespmem:$0x18980] =	vst v63  }
0x44: {  	_ =	swait.ge [sflag:s19], $0x80  }
0x45: {  	[sflag:s19] =	ssyncset.done $0x0  }
0x46: {  	s7 =	simm.s32 $0x600;
	[sflag:s19] =	ssyncadd.s32 $0xFFFFFF80  }
0x47: {  	[tilespmem:s7], [sflag:$0x1] =	stream.indirect.gather [hbm4b:s3+s22], $0x40, s1, s22, $0xb8;
	[tilespmem:$0x18980] =	vst v63  }
0x48: {  	s8 =	simm.s32 $0x8600  }
0x49: {  	[tilespmem:s8], [sflag:$0x1] =	stream.indirect.gather [hbm4b:s4+s22], $0x40, s20, s22, $0xb8;
	[tilespmem:$0x18980] =	vst v63  }
0x4a: {  	s7 =	simm.s32 $0x10600  }
0x4b: {  	[tilespmem:s7], [sflag:$0x1] =	stream.indirect.gather [hbm4b:s3+s22], $0x40, s21, s22, $0xb8;
	[tilespmem:$0x18980] =	vst v63  }
0x4c: {  	s8 =	simm.s32 $0x2600  }
0x4d: {  	[tilespmem:s8], [sflag:$0x1] =	stream.indirect.gather [hbm4b:s3+s22], $0x40, s22, s22, $0xb8;
	[tilespmem:$0x18980] =	vst v63  }
0x4e: {  	s7 =	simm.s32 $0xA600  }
0x4f: {  	[tilespmem:s7], [sflag:$0x1] =	stream.indirect.gather [hbm4b:s4+s22], $0x40, s23, s22, $0xb8;
	[tilespmem:$0x18980] =	vst v63  }
0x50: {  	s8 =	simm.s32 $0x12600  }
0x51: {  	[tilespmem:s8], [sflag:$0x1] =	stream.indirect.gather [hbm4b:s3+s22], $0x40, s24, s22, $0xb8;
	[tilespmem:$0x18980] =	vst v63  }
0x52: {  	s7 =	simm.s32 $0x4600  }
0x53: {  	[tilespmem:s7], [sflag:$0x1] =	stream.indirect.gather [hbm4b:s3+s22], $0x40, s25, s22, $0xb8;
	[tilespmem:$0x18980] =	vst v63  }
0x54: {  	s8 =	simm.s32 $0xC600  }
0x55: {  	[tilespmem:s8], [sflag:$0x1] =	stream.indirect.gather [hbm4b:s4+s22], $0x40, s26, s22, $0xb8;
	[tilespmem:$0x18980] =	vst v63  }
0x56: {  	s7 =	simm.s32 $0x14600  }
0x57: {  	[tilespmem:s7], [sflag:$0x1] =	stream.indirect.gather [hbm4b:s3+s22], $0x40, s28, s22, $0xb8;
	[tilespmem:$0x18980] =	vst v63  }
0x58: {  	s8 =	simm.s32 $0x6600  }
0x59: {  	[tilespmem:s8], [sflag:$0x1] =	stream.indirect.gather [hbm4b:s3+s22], $0x40, s29, s22, $0xb8;
	[tilespmem:$0x18980] =	vst v63  }
0x5a: {  	s7 =	simm.s32 $0xE600  }
0x5b: {  	[tilespmem:s7], [sflag:$0x1] =	stream.indirect.gather [hbm4b:s4+s22], $0x40, s30, s22, $0xb8;
	[tilespmem:$0x18980] =	vst v63  }
0x5c: {  	s8 =	simm.s32 $0x16600  }
0x5d: {  	[tilespmem:s8], [sflag:$0x1] =	stream.indirect.gather [hbm4b:s3+s22], $0x40, s31, s22, $0xb8;
	[tilespmem:$0x18980] =	vst v63  }
0x5e: {  	_ =	swait.ge [sflag:s0], $0x2000  }
0x5f: {  	[sflag:s0] =	ssyncset.done $0x0  }
0x60: {  	[sflag:s0] =	ssyncadd.s32 $0xFFFFE000  }
0x61: {  	_ =	swait.ge [sflag:s0], $0x2000  }
0x62: {  	[sflag:s0] =	ssyncset.done $0x0  }
0x63: {  	[sflag:s0] =	ssyncadd.s32 $0xFFFFE000  }
0x64: {  	_ =	swait.ge [sflag:s0], $0x2000  }
0x65: {  	[sflag:s0] =	ssyncset.done $0x0  }
0x66: {  	[sflag:s0] =	ssyncadd.s32 $0xFFFFE000  }
0x67: {  	_ =	swait.ge [sflag:s0], $0x2000  }
0x68: {  	[sflag:s0] =	ssyncset.done $0x0  }
0x69: {  	[sflag:s0] =	ssyncadd.s32 $0xFFFFE000  }
0x6a: {  	_ =	swait.ge [sflag:s0], $0x2000  }
0x6b: {  	[sflag:s0] =	ssyncset.done $0x0  }
0x6c: {  	[sflag:s0] =	ssyncadd.s32 $0xFFFFE000  }
0x6d: {  	_ =	swait.ge [sflag:s0], $0x2000  }
0x6e: {  	[sflag:s0] =	ssyncset.done $0x0  }
0x6f: {  	[sflag:s0] =	ssyncadd.s32 $0xFFFFE000  }
0x70: {  	_ =	swait.ge [sflag:s0], $0x2000  }
0x71: {  	[sflag:s0] =	ssyncset.done $0x0  }
0x72: {  	[sflag:s0] =	ssyncadd.s32 $0xFFFFE000  }
0x73: {  	_ =	swait.ge [sflag:s0], $0x2000  }
0x74: {  	[sflag:s0] =	ssyncset.done $0x0  }
0x75: {  	[sflag:s0] =	ssyncadd.s32 $0xFFFFE000  }
0x76: {  	_ =	swait.ge [sflag:s0], $0x2000  }
0x77: {  	[sflag:s0] =	ssyncset.done $0x0  }
0x78: {  	[sflag:s0] =	ssyncadd.s32 $0xFFFFE000  }
0x79: {  	_ =	swait.ge [sflag:s0], $0x2000  }
0x7a: {  	[sflag:s0] =	ssyncset.done $0x0  }
0x7b: {  	[sflag:s0] =	ssyncadd.s32 $0xFFFFE000  }
0x7c: {  	_ =	swait.ge [sflag:s0], $0x2000  }
0x7d: {  	[sflag:s0] =	ssyncset.done $0x0  }
0x7e: {  	[sflag:s0] =	ssyncadd.s32 $0xFFFFE000  }
0x7f: {  	_ =	swait.ge [sflag:s0], $0x2000  }
0x80: {  	[sflag:s0] =	ssyncset.done $0x0  }
0x81: {  	s6 =	simm.s32 $0x18780;
	s7 =	simm.s32 $0x0;
	[sflag:s0] =	ssyncadd.s32 $0xFFFFE000  }
.LBB2_2:
0x82: {  	s8 =	sshra.s32 s7, $0x2  }
0x83: {  	v16 =	vld [tilespmem:s8+$0x600]  }
0x84: {  	v17 =	vld [tilespmem:s8+$0x8600]  }
0x85: {  	v18 =	vld [tilespmem:s8+$0x10600]  }
0x86: {  	v19 =	vld [tilespmem:s8+$0x610]  }
0x87: {  	v20 =	vld [tilespmem:s8+$0x8610]  }
0x88: {  	v21 =	vld [tilespmem:s8+$0x10610]  }
0x89: {  	v22 =	vld [tilespmem:s8+$0x620]  }
0x8a: {  	v23 =	vld [tilespmem:s8+$0x8620]  }
0x8b: {  	v24 =	vld [tilespmem:s8+$0x10620]  }
0x8c: {  	v25 =	vld [tilespmem:s8+$0x630]  }
0x8d: {  	v16 =	vadd.f32 v17, v16;
	v17 =	vld [tilespmem:s8+$0x8630]  }
0x8e: {  	v19 =	vadd.f32 v20, v19  }
0x8f: {  	v30 =	vld [tilespmem:s8+$0x10630];
	v31 =	vadd.f32 v23, v22  }
0x90: {  	v16 =	vsub.f32 v16, v18;
	v19 =	vsub.f32 v19, v21  }
0x91: {  	v20 =	vsub.f32 v31, v24  }
0x92: {  	v16 =	vmul.f32 v16, v16;
	v19 =	vmul.f32 v19, v19;
	v17 =	vadd.f32 v17, v25;
	_ =	sdelay $0x1  }
0x93: {  	v32 =	vmul.f32 v20, v20;
	v16 =	vadd.f32 v19, v16;
	v17 =	vsub.f32 v17, v30;
	_ =	sdelay $0x1  }
0x94: {  	v16 =	vadd.f32 v32, v16;
	v17 =	vmul.f32 v17, v17;
	_ =	sdelay $0x1  }
0x95: {  	v16 =	vadd.f32 v17, v16;
	_ =	sdelay $0x1  }
0x96: {  	[tilespmem:$0x18600] =	vst v16  }
0x97: {  	v16 =	vld [tilespmem:s8+$0x640]  }
0x98: {  	v17 =	vld [tilespmem:s8+$0x8640]  }
0x99: {  	v33 =	vld [tilespmem:s8+$0x10640]  }
0x9a: {  	v34 =	vld [tilespmem:s8+$0x650]  }
0x9b: {  	v35 =	vld [tilespmem:s8+$0x8650]  }
0x9c: {  	v36 =	vld [tilespmem:s8+$0x10650]  }
0x9d: {  	v37 =	vld [tilespmem:s8+$0x660]  }
0x9e: {  	v38 =	vld [tilespmem:s8+$0x8660]  }
0x9f: {  	v39 =	vld [tilespmem:s8+$0x10660]  }
0xa0: {  	v40 =	vld [tilespmem:s8+$0x670]  }
0xa1: {  	v16 =	vadd.f32 v17, v16;
	v17 =	vld [tilespmem:s8+$0x8670]  }
0xa2: {  	v19 =	vadd.f32 v35, v34  }
0xa3: {  	v41 =	vld [tilespmem:s8+$0x10670];
	v42 =	vadd.f32 v38, v37  }
0xa4: {  	v16 =	vsub.f32 v16, v33;
	v19 =	vsub.f32 v19, v36  }
0xa5: {  	v20 =	vsub.f32 v42, v39  }
0xa6: {  	v16 =	vmul.f32 v16, v16;
	v19 =	vmul.f32 v19, v19;
	v17 =	vadd.f32 v17, v40;
	_ =	sdelay $0x1  }
0xa7: {  	v43 =	vmul.f32 v20, v20;
	v16 =	vadd.f32 v19, v16;
	v17 =	vsub.f32 v17, v41;
	_ =	sdelay $0x1  }
0xa8: {  	v16 =	vadd.f32 v43, v16;
	v17 =	vmul.f32 v17, v17;
	_ =	sdelay $0x1  }
0xa9: {  	v16 =	vadd.f32 v17, v16;
	_ =	sdelay $0x1  }
0xaa: {  	[tilespmem:$0x18618] =	vst v16  }
0xab: {  	v16 =	vld [tilespmem:s8+$0x680]  }
0xac: {  	v17 =	vld [tilespmem:s8+$0x8680]  }
0xad: {  	v44 =	vld [tilespmem:s8+$0x10680]  }
0xae: {  	v45 =	vld [tilespmem:s8+$0x690]  }
0xaf: {  	v46 =	vld [tilespmem:s8+$0x8690]  }
0xb0: {  	v47 =	vld [tilespmem:s8+$0x10690]  }
0xb1: {  	v48 =	vld [tilespmem:s8+$0x6A0]  }
0xb2: {  	v49 =	vld [tilespmem:s8+$0x86A0]  }
0xb3: {  	v50 =	vld [tilespmem:s8+$0x106A0]  }
0xb4: {  	v51 =	vld [tilespmem:s8+$0x6B0]  }
0xb5: {  	v16 =	vadd.f32 v17, v16;
	v17 =	vld [tilespmem:s8+$0x86B0]  }
0xb6: {  	v19 =	vadd.f32 v46, v45  }
0xb7: {  	v52 =	vld [tilespmem:s8+$0x106B0];
	v53 =	vadd.f32 v49, v48  }
0xb8: {  	v16 =	vsub.f32 v16, v44;
	v19 =	vsub.f32 v19, v47  }
0xb9: {  	v20 =	vsub.f32 v53, v50  }
0xba: {  	v16 =	vmul.f32 v16, v16;
	v19 =	vmul.f32 v19, v19;
	v17 =	vadd.f32 v17, v51;
	_ =	sdelay $0x1  }
0xbb: {  	v54 =	vmul.f32 v20, v20;
	v16 =	vadd.f32 v19, v16;
	v17 =	vsub.f32 v17, v52;
	_ =	sdelay $0x1  }
0xbc: {  	v16 =	vadd.f32 v54, v16;
	v17 =	vmul.f32 v17, v17;
	_ =	sdelay $0x1  }
0xbd: {  	v16 =	vadd.f32 v17, v16;
	_ =	sdelay $0x1  }
0xbe: {  	[tilespmem:$0x18630] =	vst v16  }
0xbf: {  	v16 =	vld [tilespmem:s8+$0x6C0]  }
0xc0: {  	v17 =	vld [tilespmem:s8+$0x86C0]  }
0xc1: {  	v55 =	vld [tilespmem:s8+$0x106C0]  }
0xc2: {  	v56 =	vld [tilespmem:s8+$0x6D0]  }
0xc3: {  	v57 =	vld [tilespmem:s8+$0x86D0]  }
0xc4: {  	v58 =	vld [tilespmem:s8+$0x106D0]  }
0xc5: {  	v59 =	vld [tilespmem:s8+$0x6E0]  }
0xc6: {  	v60 =	vld [tilespmem:s8+$0x86E0]  }
0xc7: {  	v61 =	vld [tilespmem:s8+$0x106E0]  }
0xc8: {  	v62 =	vld [tilespmem:s8+$0x6F0]  }
0xc9: {  	v16 =	vadd.f32 v17, v16;
	v17 =	vld [tilespmem:s8+$0x86F0]  }
0xca: {  	v19 =	vadd.f32 v57, v56  }
0xcb: {  	v63 =	vld [tilespmem:s8+$0x106F0];
	v26 =	vadd.f32 v60, v59  }
0xcc: {  	v16 =	vsub.f32 v16, v55;
	v19 =	vsub.f32 v19, v58  }
0xcd: {  	v20 =	vsub.f32 v26, v61  }
0xce: {  	v16 =	vmul.f32 v16, v16;
	v19 =	vmul.f32 v19, v19;
	v17 =	vadd.f32 v17, v62;
	_ =	sdelay $0x1  }
0xcf: {  	v27 =	vmul.f32 v20, v20;
	v16 =	vadd.f32 v19, v16;
	v17 =	vsub.f32 v17, v63;
	_ =	sdelay $0x1  }
0xd0: {  	v16 =	vadd.f32 v27, v16;
	v17 =	vmul.f32 v17, v17;
	_ =	sdelay $0x1  }
0xd1: {  	v16 =	vadd.f32 v17, v16;
	_ =	sdelay $0x1  }
0xd2: {  	[tilespmem:$0x18648] =	vst v16  }
0xd3: {  	v16 =	vld [tilespmem:s8+$0x700]  }
0xd4: {  	v17 =	vld [tilespmem:s8+$0x8700]  }
0xd5: {  	v28 =	vld [tilespmem:s8+$0x10700]  }
0xd6: {  	v29 =	vld [tilespmem:s8+$0x710]  }
0xd7: {  	v30 =	vld [tilespmem:s8+$0x8710]  }
0xd8: {  	v31 =	vld [tilespmem:s8+$0x10710]  }
0xd9: {  	v32 =	vld [tilespmem:s8+$0x720]  }
0xda: {  	v33 =	vld [tilespmem:s8+$0x8720]  }
0xdb: {  	v34 =	vld [tilespmem:s8+$0x10720]  }
0xdc: {  	v35 =	vld [tilespmem:s8+$0x730]  }
0xdd: {  	v16 =	vadd.f32 v17, v16;
	v17 =	vld [tilespmem:s8+$0x8730]  }
0xde: {  	v19 =	vadd.f32 v30, v29  }
0xdf: {  	v36 =	vld [tilespmem:s8+$0x10730];
	v37 =	vadd.f32 v33, v32  }
0xe0: {  	v16 =	vsub.f32 v16, v28;
	v19 =	vsub.f32 v19, v31  }
0xe1: {  	v20 =	vsub.f32 v37, v34  }
0xe2: {  	v16 =	vmul.f32 v16, v16;
	v19 =	vmul.f32 v19, v19;
	v17 =	vadd.f32 v17, v35;
	_ =	sdelay $0x1  }
0xe3: {  	v38 =	vmul.f32 v20, v20;
	v16 =	vadd.f32 v19, v16;
	v17 =	vsub.f32 v17, v36;
	_ =	sdelay $0x1  }
0xe4: {  	v16 =	vadd.f32 v38, v16;
	v17 =	vmul.f32 v17, v17;
	_ =	sdelay $0x1  }
0xe5: {  	v16 =	vadd.f32 v17, v16;
	_ =	sdelay $0x1  }
0xe6: {  	[tilespmem:$0x18660] =	vst v16  }
0xe7: {  	v16 =	vld [tilespmem:s8+$0x740]  }
0xe8: {  	v17 =	vld [tilespmem:s8+$0x8740]  }
0xe9: {  	v39 =	vld [tilespmem:s8+$0x10740]  }
0xea: {  	v40 =	vld [tilespmem:s8+$0x750]  }
0xeb: {  	v41 =	vld [tilespmem:s8+$0x8750]  }
0xec: {  	v42 =	vld [tilespmem:s8+$0x10750]  }
0xed: {  	v43 =	vld [tilespmem:s8+$0x760]  }
0xee: {  	v44 =	vld [tilespmem:s8+$0x8760]  }
0xef: {  	v45 =	vld [tilespmem:s8+$0x10760]  }
0xf0: {  	v46 =	vld [tilespmem:s8+$0x770]  }
0xf1: {  	v16 =	vadd.f32 v17, v16;
	v17 =	vld [tilespmem:s8+$0x8770]  }
0xf2: {  	v19 =	vadd.f32 v41, v40  }
0xf3: {  	v47 =	vld [tilespmem:s8+$0x10770];
	v48 =	vadd.f32 v44, v43  }
0xf4: {  	v16 =	vsub.f32 v16, v39;
	v19 =	vsub.f32 v19, v42  }
0xf5: {  	v20 =	vsub.f32 v48, v45  }
0xf6: {  	v16 =	vmul.f32 v16, v16;
	v19 =	vmul.f32 v19, v19;
	v17 =	vadd.f32 v17, v46;
	_ =	sdelay $0x1  }
0xf7: {  	v49 =	vmul.f32 v20, v20;
	v16 =	vadd.f32 v19, v16;
	v17 =	vsub.f32 v17, v47;
	_ =	sdelay $0x1  }
0xf8: {  	v16 =	vadd.f32 v49, v16;
	v17 =	vmul.f32 v17, v17;
	_ =	sdelay $0x1  }
0xf9: {  	v16 =	vadd.f32 v17, v16;
	_ =	sdelay $0x1  }
0xfa: {  	[tilespmem:$0x18678] =	vst v16  }
0xfb: {  	v16 =	vld [tilespmem:s8+$0x780]  }
0xfc: {  	v17 =	vld [tilespmem:s8+$0x8780]  }
0xfd: {  	v50 =	vld [tilespmem:s8+$0x10780]  }
0xfe: {  	v51 =	vld [tilespmem:s8+$0x790]  }
0xff: {  	v52 =	vld [tilespmem:s8+$0x8790]  }
0x100: {  	v53 =	vld [tilespmem:s8+$0x10790]  }
0x101: {  	v54 =	vld [tilespmem:s8+$0x7A0]  }
0x102: {  	v55 =	vld [tilespmem:s8+$0x87A0]  }
0x103: {  	v56 =	vld [tilespmem:s8+$0x107A0]  }
0x104: {  	v57 =	vld [tilespmem:s8+$0x7B0]  }
0x105: {  	v16 =	vadd.f32 v17, v16;
	v17 =	vld [tilespmem:s8+$0x87B0]  }
0x106: {  	v19 =	vadd.f32 v52, v51  }
0x107: {  	v58 =	vld [tilespmem:s8+$0x107B0];
	v59 =	vadd.f32 v55, v54  }
0x108: {  	v16 =	vsub.f32 v16, v50;
	v19 =	vsub.f32 v19, v53  }
0x109: {  	v20 =	vsub.f32 v59, v56  }
0x10a: {  	v16 =	vmul.f32 v16, v16;
	v19 =	vmul.f32 v19, v19;
	v17 =	vadd.f32 v17, v57;
	_ =	sdelay $0x1  }
0x10b: {  	v60 =	vmul.f32 v20, v20;
	v16 =	vadd.f32 v19, v16;
	v17 =	vsub.f32 v17, v58;
	_ =	sdelay $0x1  }
0x10c: {  	v16 =	vadd.f32 v60, v16;
	v17 =	vmul.f32 v17, v17;
	_ =	sdelay $0x1  }
0x10d: {  	v16 =	vadd.f32 v17, v16;
	_ =	sdelay $0x1  }
0x10e: {  	[tilespmem:$0x18690] =	vst v16  }
0x10f: {  	v16 =	vld [tilespmem:s8+$0x7C0]  }
0x110: {  	v17 =	vld [tilespmem:s8+$0x87C0]  }
0x111: {  	v61 =	vld [tilespmem:s8+$0x107C0]  }
0x112: {  	v62 =	vld [tilespmem:s8+$0x7D0]  }
0x113: {  	v63 =	vld [tilespmem:s8+$0x87D0]  }
0x114: {  	v28 =	vld [tilespmem:s8+$0x107D0]  }
0x115: {  	v29 =	vld [tilespmem:s8+$0x7E0]  }
0x116: {  	v30 =	vld [tilespmem:s8+$0x87E0]  }
0x117: {  	v31 =	vld [tilespmem:s8+$0x107E0]  }
0x118: {  	v32 =	vld [tilespmem:s8+$0x7F0]  }
0x119: {  	v16 =	vadd.f32 v17, v16;
	v17 =	vld [tilespmem:s8+$0x87F0]  }
0x11a: {  	v19 =	vadd.f32 v63, v62  }
0x11b: {  	v33 =	vld [tilespmem:s8+$0x107F0];
	v34 =	vadd.f32 v30, v29  }
0x11c: {  	v16 =	vsub.f32 v16, v61;
	v19 =	vsub.f32 v19, v28  }
0x11d: {  	v20 =	vsub.f32 v34, v31  }
0x11e: {  	v16 =	vmul.f32 v16, v16;
	v19 =	vmul.f32 v19, v19;
	v17 =	vadd.f32 v17, v32;
	_ =	sdelay $0x1  }
0x11f: {  	v35 =	vmul.f32 v20, v20;
	v16 =	vadd.f32 v19, v16;
	v17 =	vsub.f32 v17, v33;
	_ =	sdelay $0x1  }
0x120: {  	v16 =	vadd.f32 v35, v16;
	v17 =	vmul.f32 v17, v17;
	_ =	sdelay $0x1  }
0x121: {  	v16 =	vadd.f32 v17, v16;
	_ =	sdelay $0x1  }
0x122: {  	[tilespmem:$0x186A8] =	vst v16  }
0x123: {  	v16 =	vld [tilespmem:s8+$0x800]  }
0x124: {  	v17 =	vld [tilespmem:s8+$0x8800]  }
0x125: {  	v36 =	vld [tilespmem:s8+$0x10800]  }
0x126: {  	v37 =	vld [tilespmem:s8+$0x810]  }
0x127: {  	v38 =	vld [tilespmem:s8+$0x8810]  }
0x128: {  	v39 =	vld [tilespmem:s8+$0x10810]  }
0x129: {  	v40 =	vld [tilespmem:s8+$0x820]  }
0x12a: {  	v41 =	vld [tilespmem:s8+$0x8820]  }
0x12b: {  	v42 =	vld [tilespmem:s8+$0x10820]  }
0x12c: {  	v43 =	vld [tilespmem:s8+$0x830]  }
0x12d: {  	v16 =	vadd.f32 v17, v16;
	v17 =	vld [tilespmem:s8+$0x8830]  }
0x12e: {  	v19 =	vadd.f32 v38, v37  }
0x12f: {  	v44 =	vld [tilespmem:s8+$0x10830];
	v45 =	vadd.f32 v41, v40  }
0x130: {  	v16 =	vsub.f32 v16, v36;
	v19 =	vsub.f32 v19, v39  }
0x131: {  	v20 =	vsub.f32 v45, v42  }
0x132: {  	v16 =	vmul.f32 v16, v16;
	v19 =	vmul.f32 v19, v19;
	v17 =	vadd.f32 v17, v43;
	_ =	sdelay $0x1  }
0x133: {  	v46 =	vmul.f32 v20, v20;
	v16 =	vadd.f32 v19, v16;
	v17 =	vsub.f32 v17, v44;
	_ =	sdelay $0x1  }
0x134: {  	v16 =	vadd.f32 v46, v16;
	v17 =	vmul.f32 v17, v17;
	_ =	sdelay $0x1  }
0x135: {  	v16 =	vadd.f32 v17, v16;
	_ =	sdelay $0x1  }
0x136: {  	[tilespmem:$0x186C0] =	vst v16  }
0x137: {  	v16 =	vld [tilespmem:s8+$0x840]  }
0x138: {  	v17 =	vld [tilespmem:s8+$0x8840]  }
0x139: {  	v47 =	vld [tilespmem:s8+$0x10840]  }
0x13a: {  	v48 =	vld [tilespmem:s8+$0x850]  }
0x13b: {  	v49 =	vld [tilespmem:s8+$0x8850]  }
0x13c: {  	v50 =	vld [tilespmem:s8+$0x10850]  }
0x13d: {  	v51 =	vld [tilespmem:s8+$0x860]  }
0x13e: {  	v52 =	vld [tilespmem:s8+$0x8860]  }
0x13f: {  	v53 =	vld [tilespmem:s8+$0x10860]  }
0x140: {  	v54 =	vld [tilespmem:s8+$0x870]  }
0x141: {  	v16 =	vadd.f32 v17, v16;
	v17 =	vld [tilespmem:s8+$0x8870]  }
0x142: {  	v19 =	vadd.f32 v49, v48  }
0x143: {  	v55 =	vld [tilespmem:s8+$0x10870];
	v56 =	vadd.f32 v52, v51  }
0x144: {  	v16 =	vsub.f32 v16, v47;
	v19 =	vsub.f32 v19, v50  }
0x145: {  	v20 =	vsub.f32 v56, v53  }
0x146: {  	v16 =	vmul.f32 v16, v16;
	v19 =	vmul.f32 v19, v19;
	v17 =	vadd.f32 v17, v54;
	_ =	sdelay $0x1  }
0x147: {  	v57 =	vmul.f32 v20, v20;
	v16 =	vadd.f32 v19, v16;
	v17 =	vsub.f32 v17, v55;
	_ =	sdelay $0x1  }
0x148: {  	v16 =	vadd.f32 v57, v16;
	v17 =	vmul.f32 v17, v17;
	_ =	sdelay $0x1  }
0x149: {  	v16 =	vadd.f32 v17, v16;
	_ =	sdelay $0x1  }
0x14a: {  	[tilespmem:$0x186D8] =	vst v16  }
0x14b: {  	v16 =	vld [tilespmem:s8+$0x880]  }
0x14c: {  	v17 =	vld [tilespmem:s8+$0x8880]  }
0x14d: {  	v58 =	vld [tilespmem:s8+$0x10880]  }
0x14e: {  	v59 =	vld [tilespmem:s8+$0x890]  }
0x14f: {  	v60 =	vld [tilespmem:s8+$0x8890]  }
0x150: {  	v61 =	vld [tilespmem:s8+$0x10890]  }
0x151: {  	v62 =	vld [tilespmem:s8+$0x8A0]  }
0x152: {  	v63 =	vld [tilespmem:s8+$0x88A0]  }
0x153: {  	v28 =	vld [tilespmem:s8+$0x108A0]  }
0x154: {  	v29 =	vld [tilespmem:s8+$0x8B0]  }
0x155: {  	v16 =	vadd.f32 v17, v16;
	v17 =	vld [tilespmem:s8+$0x88B0]  }
0x156: {  	v19 =	vadd.f32 v60, v59  }
0x157: {  	v30 =	vld [tilespmem:s8+$0x108B0];
	v31 =	vadd.f32 v63, v62  }
0x158: {  	v16 =	vsub.f32 v16, v58;
	v19 =	vsub.f32 v19, v61  }
0x159: {  	v20 =	vsub.f32 v31, v28  }
0x15a: {  	v16 =	vmul.f32 v16, v16;
	v19 =	vmul.f32 v19, v19;
	v17 =	vadd.f32 v17, v29;
	_ =	sdelay $0x1  }
0x15b: {  	v32 =	vmul.f32 v20, v20;
	v16 =	vadd.f32 v19, v16;
	v17 =	vsub.f32 v17, v30;
	_ =	sdelay $0x1  }
0x15c: {  	v16 =	vadd.f32 v32, v16;
	v17 =	vmul.f32 v17, v17;
	_ =	sdelay $0x1  }
0x15d: {  	v16 =	vadd.f32 v17, v16;
	_ =	sdelay $0x1  }
0x15e: {  	[tilespmem:$0x186F0] =	vst v16  }
0x15f: {  	v16 =	vld [tilespmem:s8+$0x8C0]  }
0x160: {  	v17 =	vld [tilespmem:s8+$0x88C0]  }
0x161: {  	v33 =	vld [tilespmem:s8+$0x108C0]  }
0x162: {  	v34 =	vld [tilespmem:s8+$0x8D0]  }
0x163: {  	v35 =	vld [tilespmem:s8+$0x88D0]  }
0x164: {  	v36 =	vld [tilespmem:s8+$0x108D0]  }
0x165: {  	v37 =	vld [tilespmem:s8+$0x8E0]  }
0x166: {  	v38 =	vld [tilespmem:s8+$0x88E0]  }
0x167: {  	v39 =	vld [tilespmem:s8+$0x108E0]  }
0x168: {  	v40 =	vld [tilespmem:s8+$0x8F0]  }
0x169: {  	v16 =	vadd.f32 v17, v16;
	v17 =	vld [tilespmem:s8+$0x88F0]  }
0x16a: {  	v19 =	vadd.f32 v35, v34  }
0x16b: {  	v41 =	vld [tilespmem:s8+$0x108F0];
	v42 =	vadd.f32 v38, v37  }
0x16c: {  	v16 =	vsub.f32 v16, v33;
	v19 =	vsub.f32 v19, v36  }
0x16d: {  	v20 =	vsub.f32 v42, v39  }
0x16e: {  	v16 =	vmul.f32 v16, v16;
	v19 =	vmul.f32 v19, v19;
	v17 =	vadd.f32 v17, v40;
	_ =	sdelay $0x1  }
0x16f: {  	v43 =	vmul.f32 v20, v20;
	v16 =	vadd.f32 v19, v16;
	v17 =	vsub.f32 v17, v41;
	_ =	sdelay $0x1  }
0x170: {  	v16 =	vadd.f32 v43, v16;
	v17 =	vmul.f32 v17, v17;
	_ =	sdelay $0x1  }
0x171: {  	v16 =	vadd.f32 v17, v16;
	_ =	sdelay $0x1  }
0x172: {  	[tilespmem:$0x18708] =	vst v16  }
0x173: {  	v16 =	vld [tilespmem:s8+$0x900]  }
0x174: {  	v17 =	vld [tilespmem:s8+$0x8900]  }
0x175: {  	v44 =	vld [tilespmem:s8+$0x10900]  }
0x176: {  	v45 =	vld [tilespmem:s8+$0x910]  }
0x177: {  	v46 =	vld [tilespmem:s8+$0x8910]  }
0x178: {  	v47 =	vld [tilespmem:s8+$0x10910]  }
0x179: {  	v48 =	vld [tilespmem:s8+$0x920]  }
0x17a: {  	v49 =	vld [tilespmem:s8+$0x8920]  }
0x17b: {  	v50 =	vld [tilespmem:s8+$0x10920]  }
0x17c: {  	v51 =	vld [tilespmem:s8+$0x930]  }
0x17d: {  	v16 =	vadd.f32 v17, v16;
	v17 =	vld [tilespmem:s8+$0x8930]  }
0x17e: {  	v19 =	vadd.f32 v46, v45  }
0x17f: {  	v52 =	vld [tilespmem:s8+$0x10930];
	v53 =	vadd.f32 v49, v48  }
0x180: {  	v16 =	vsub.f32 v16, v44;
	v19 =	vsub.f32 v19, v47  }
0x181: {  	v20 =	vsub.f32 v53, v50  }
0x182: {  	v16 =	vmul.f32 v16, v16;
	v19 =	vmul.f32 v19, v19;
	v17 =	vadd.f32 v17, v51;
	_ =	sdelay $0x1  }
0x183: {  	v54 =	vmul.f32 v20, v20;
	v16 =	vadd.f32 v19, v16;
	v17 =	vsub.f32 v17, v52;
	_ =	sdelay $0x1  }
0x184: {  	v16 =	vadd.f32 v54, v16;
	v17 =	vmul.f32 v17, v17;
	_ =	sdelay $0x1  }
0x185: {  	v16 =	vadd.f32 v17, v16;
	_ =	sdelay $0x1  }
0x186: {  	[tilespmem:$0x18720] =	vst v16  }
0x187: {  	v16 =	vld [tilespmem:s8+$0x940]  }
0x188: {  	v17 =	vld [tilespmem:s8+$0x8940]  }
0x189: {  	v55 =	vld [tilespmem:s8+$0x10940]  }
0x18a: {  	v56 =	vld [tilespmem:s8+$0x950]  }
0x18b: {  	v57 =	vld [tilespmem:s8+$0x8950]  }
0x18c: {  	v58 =	vld [tilespmem:s8+$0x10950]  }
0x18d: {  	v59 =	vld [tilespmem:s8+$0x960]  }
0x18e: {  	v60 =	vld [tilespmem:s8+$0x8960]  }
0x18f: {  	v61 =	vld [tilespmem:s8+$0x10960]  }
0x190: {  	v62 =	vld [tilespmem:s8+$0x970]  }
0x191: {  	v16 =	vadd.f32 v17, v16;
	v17 =	vld [tilespmem:s8+$0x8970]  }
0x192: {  	v19 =	vadd.f32 v57, v56  }
0x193: {  	v63 =	vld [tilespmem:s8+$0x10970];
	v26 =	vadd.f32 v60, v59  }
0x194: {  	v16 =	vsub.f32 v16, v55;
	v19 =	vsub.f32 v19, v58  }
0x195: {  	v20 =	vsub.f32 v26, v61  }
0x196: {  	v16 =	vmul.f32 v16, v16;
	v19 =	vmul.f32 v19, v19;
	v17 =	vadd.f32 v17, v62;
	_ =	sdelay $0x1  }
0x197: {  	v27 =	vmul.f32 v20, v20;
	v16 =	vadd.f32 v19, v16;
	v17 =	vsub.f32 v17, v63;
	_ =	sdelay $0x1  }
0x198: {  	v16 =	vadd.f32 v27, v16;
	v17 =	vmul.f32 v17, v17;
	_ =	sdelay $0x1  }
0x199: {  	v16 =	vadd.f32 v17, v16;
	_ =	sdelay $0x1  }
0x19a: {  	[tilespmem:$0x18738] =	vst v16  }
0x19b: {  	v16 =	vld [tilespmem:s8+$0x980]  }
0x19c: {  	v17 =	vld [tilespmem:s8+$0x8980]  }
0x19d: {  	v28 =	vld [tilespmem:s8+$0x10980]  }
0x19e: {  	v29 =	vld [tilespmem:s8+$0x990]  }
0x19f: {  	v30 =	vld [tilespmem:s8+$0x8990]  }
0x1a0: {  	v31 =	vld [tilespmem:s8+$0x10990]  }
0x1a1: {  	v32 =	vld [tilespmem:s8+$0x9A0]  }
0x1a2: {  	v33 =	vld [tilespmem:s8+$0x89A0]  }
0x1a3: {  	v34 =	vld [tilespmem:s8+$0x109A0]  }
0x1a4: {  	v35 =	vld [tilespmem:s8+$0x9B0]  }
0x1a5: {  	v16 =	vadd.f32 v17, v16;
	v17 =	vld [tilespmem:s8+$0x89B0]  }
0x1a6: {  	v19 =	vadd.f32 v30, v29  }
0x1a7: {  	v36 =	vld [tilespmem:s8+$0x109B0];
	v37 =	vadd.f32 v33, v32  }
0x1a8: {  	v16 =	vsub.f32 v16, v28;
	v19 =	vsub.f32 v19, v31  }
0x1a9: {  	v20 =	vsub.f32 v37, v34  }
0x1aa: {  	v16 =	vmul.f32 v16, v16;
	v19 =	vmul.f32 v19, v19;
	v17 =	vadd.f32 v17, v35;
	_ =	sdelay $0x1  }
0x1ab: {  	v38 =	vmul.f32 v20, v20;
	v16 =	vadd.f32 v19, v16;
	v17 =	vsub.f32 v17, v36;
	_ =	sdelay $0x1  }
0x1ac: {  	v16 =	vadd.f32 v38, v16;
	v17 =	vmul.f32 v17, v17;
	_ =	sdelay $0x1  }
0x1ad: {  	v16 =	vadd.f32 v17, v16;
	_ =	sdelay $0x1  }
0x1ae: {  	[tilespmem:$0x18750] =	vst v16  }
0x1af: {  	v16 =	vld [tilespmem:s8+$0x9C0]  }
0x1b0: {  	v17 =	vld [tilespmem:s8+$0x89C0]  }
0x1b1: {  	v39 =	vld [tilespmem:s8+$0x109C0]  }
0x1b2: {  	v40 =	vld [tilespmem:s8+$0x9D0]  }
0x1b3: {  	v41 =	vld [tilespmem:s8+$0x89D0]  }
0x1b4: {  	v42 =	vld [tilespmem:s8+$0x109D0]  }
0x1b5: {  	v43 =	vld [tilespmem:s8+$0x9E0]  }
0x1b6: {  	v44 =	vld [tilespmem:s8+$0x89E0]  }
0x1b7: {  	v46 =	vld [tilespmem:s8+$0x9F0]  }
0x1b8: {  	v26 =	vld [tilespmem:s8+$0x89F0]  }
0x1b9: {  	v45 =	vld [tilespmem:s8+$0x109E0]  }
0x1ba: {  	v16 =	vadd.f32 v17, v16;
	v17 =	vadd.f32 v41, v40  }
0x1bb: {  	v48 =	vld [tilespmem:s8+$0x109F0];
	v47 =	vadd.f32 v44, v43  }
0x1bc: {  	v16 =	vsub.f32 v16, v39;
	v17 =	vsub.f32 v17, v42  }
0x1bd: {  	v50 =	vadd.f32 v26, v46  }
0x1be: {  	v49 =	vsub.f32 v47, v45;
	v16 =	vmul.f32 v16, v16;
	v17 =	vmul.f32 v17, v17;
	_ =	sdelay $0x1  }
0x1bf: {  	v51 =	vsub.f32 v50, v48;
	v16 =	vadd.f32 v17, v16;
	v17 =	vmul.f32 v49, v49;
	_ =	sdelay $0x1  }
0x1c0: {  	v16 =	vadd.f32 v17, v16;
	v17 =	vmul.f32 v51, v51;
	_ =	sdelay $0x1  }
0x1c1: {  	v16 =	vadd.f32 v17, v16;
	_ =	sdelay $0x1  }
0x1c2: {  	[tilespmem:$0x18768] =	vst v16  }
0x1c3: {  	v16 =	vld.idx.msk [tilespmem:v0+s2+$0x0], $0xffff;
	_ =	sdelay $0x1  }
0x1c4: {  	v17 =	vld.idx.msk [tilespmem:v1+s2+$0x0], $0xffff;
	_ =	sdelay $0x1  }
0x1c5: {  	v52 =	vld.idx.msk [tilespmem:v2+s2+$0x0], $0xffff  }
0x1c6: {  	v16 =	vadd.f32 $0.0e+00, v16  }
0x1c7: {  	v53 =	vld.idx.msk [tilespmem:v3+s2+$0x0], $0xffff  }
0x1c8: {  	v16 =	vadd.f32 v17, v16  }
0x1c9: {  	v17 =	vld.idx.msk [tilespmem:v4+s2+$0x0], $0xffff  }
0x1ca: {  	v16 =	vadd.f32 v52, v16  }
0x1cb: {  	v54 =	vld.idx.msk [tilespmem:v5+s2+$0x0], $0xffff  }
0x1cc: {  	v16 =	vadd.f32 v53, v16  }
0x1cd: {  	v55 =	vld.idx.msk [tilespmem:v6+s2+$0x0], $0xffff  }
0x1ce: {  	v16 =	vadd.f32 v17, v16  }
0x1cf: {  	v17 =	vld.idx.msk [tilespmem:v7+s2+$0x0], $0xffff  }
0x1d0: {  	v16 =	vadd.f32 v54, v16  }
0x1d1: {  	v56 =	vld.idx.msk [tilespmem:v8+s2+$0x0], $0xffff  }
0x1d2: {  	v16 =	vadd.f32 v55, v16  }
0x1d3: {  	v57 =	vld.idx.msk [tilespmem:v9+s2+$0x0], $0xffff  }
0x1d4: {  	v16 =	vadd.f32 v17, v16  }
0x1d5: {  	v17 =	vld.idx.msk [tilespmem:v10+s2+$0x0], $0xffff  }
0x1d6: {  	v16 =	vadd.f32 v56, v16  }
0x1d7: {  	v58 =	vld.idx.msk [tilespmem:v11+s2+$0x0], $0xffff  }
0x1d8: {  	v16 =	vadd.f32 v57, v16  }
0x1d9: {  	v59 =	vld.idx.msk [tilespmem:v12+s2+$0x0], $0xffff  }
0x1da: {  	v16 =	vadd.f32 v17, v16  }
0x1db: {  	v17 =	vld.idx.msk [tilespmem:v13+s2+$0x0], $0xffff  }
0x1dc: {  	v16 =	vadd.f32 v58, v16  }
0x1dd: {  	v60 =	vld.idx.msk [tilespmem:v14+s2+$0x0], $0xffff  }
0x1de: {  	v16 =	vadd.f32 v59, v16  }
0x1df: {  	v61 =	vld.idx.msk [tilespmem:v15+s2+$0x0], $0xffff  }
0x1e0: {  	v16 =	vadd.f32 v17, v16;
	_ =	sdelay $0x1  }
0x1e1: {  	v16 =	vadd.f32 v60, v16;
	_ =	sdelay $0x1  }
0x1e2: {  	v16 =	vadd.f32 v61, v16;
	_ =	sdelay $0x1  }
0x1e3: {  	v17 =	vmax.f32 v16, $1.000000000e-30  }
0x1e4: {  	v62 =	vshra.s32 v17, $0x1;
	v17 =	vmul.f32 $5.000000000e-01, v17  }
0x1e5: {  	v18 =	vsub.s32 $0x5F3759DF, v62  }
0x1e6: {  	v63 =	vmul.f32 v18, v17;
	_ =	sdelay $0x1  }
0x1e7: {  	v19 =	vmul.f32 v18, v63;
	_ =	sdelay $0x1  }
0x1e8: {  	v19 =	vsub.f32 $1.500000000e+00, v19;
	_ =	sdelay $0x1  }
0x1e9: {  	v18 =	vmul.f32 v18, v19;
	_ =	sdelay $0x1  }
0x1ea: {  	v19 =	vmul.f32 v18, v17;
	_ =	sdelay $0x1  }
0x1eb: {  	v19 =	vmul.f32 v19, v18;
	_ =	sdelay $0x1  }
0x1ec: {  	v19 =	vsub.f32 $1.500000000e+00, v19;
	_ =	sdelay $0x1  }
0x1ed: {  	v18 =	vmul.f32 v19, v18;
	_ =	sdelay $0x1  }
0x1ee: {  	v17 =	vmul.f32 v18, v17;
	_ =	sdelay $0x1  }
0x1ef: {  	v17 =	vmul.f32 v17, v18;
	_ =	sdelay $0x1  }
0x1f0: {  	v17 =	vsub.f32 $1.500000000e+00, v17;
	_ =	sdelay $0x1  }
0x1f1: {  	v17 =	vmul.f32 v17, v18  }
0x1f2: {  	p0 =	sne.s32 s7, $0x1F000  }
.Ltmp0:
0x1f3: {  	v16 =	vmul.f32 v17, v16;
	(pc) =	sbr.rel @p0 .LBB2_2-.Ltmp0, $3  }
0x1f4: {  	_ = 	snop  }
0x1f5: {  	v16 =	vsub.f32 $0.0e+00, v16;
	_ =	sdelay $0x1  }
0x1f6: {  	s7 =	sadd.s32 $0x1000, s7;
	[tilespmem:s6+$0x0] =	vst v16;
	s6 =	sadd.s32 $0x10, s6  }
0x1f7: {  	s5 =	sadd.s32 $0x1, s5  }
0x1f8: {  	p0 =	sne.s32 s5, s18  }
.Ltmp1:
0x1f9: {  	s6 =	simm.s32 $0x18780;
	(pc) =	sbr.rel @p0 .LBB2_1-.Ltmp1, $4  }
0x1fa: {  	[hbm4b:s17+s1] =	stream.linear.scatter [tilespmem:s6], [sflag:$0x2], $0x200, $0x38;
	[tilespmem:$0x18980] =	vst v63  }
0x1fb: {  	_ =	swait.ge [sflag:s19], $0x200  }
0x1fc: {  	[sflag:s19] =	ssyncset.done $0x0  }
0x1fd: {  	[sflag:s19] =	ssyncadd.s32 $0xFFFFFE00  }
0x1fe: {  	_ =	sfence.sel $0x180000  }
0x1ff: {  	[bflag:$0x0] =	sbarrier.arrive $0xFFFF  }
0x200: {  	_ =	strace $0x90000047  }
0x201: {  	s0 =	stileid.u32;
	[bflag:$0x2] =	sbarrier.arrive $0xFFFF  }
0x202: {  	p0 =	sne.s32 s0, $0x0;
	s0 =	rddreg [dreg:$0x5]  }
0x203: {  	s0 =	sadd.s32 @!p0 $0x100000, s0  }
0x204: {  	[sflag:s0] =	ssyncadd.tile.s32 @!p0 $0x1;
	_ =	shalt  }
.Lfunc_end2:
_tile_overlayer_lowered:
.L_overlay_start_2:
0x205: {  	(tag) =	ssettag $0x2  }
0x206: {  	s0 =	rddreg [dreg:$0x0];
	s2 =	stileid.u32  }
0x207: {  	s1 =	rddreg [dreg:$0x1];
	p0 =	sne.s32 s2, $0x0  }
0x208: {  	s3 =	rddreg [dreg:$0x2];
	[bflag:$0x3] =	sbarrier.arrive $0xFFFF;
	s2 =	simm.s32 @!p0 $0x1C02  }
0x209: {  	[timem:s3], [sflag:s2] =	dma.local @!p0 [hbm:s0], s1  }
0x20a: {  	s0 =	simm.s32 @!p0 $0x2  }
0x20b: {  	_ =	swait.ge @!p0 [sflag:s0], s1  }
0x20c: {  	s1 =	ssub.s32 @!p0 $0x0, s1;
	[sflag:s0] =	ssyncset.done @!p0 $0x0  }
0x20d: {  	[sflag:s0] =	ssyncadd.s32 @!p0 s1  }
0x20e: {  	[bflag:$0x3] =	sbarrier.arrive $0xFFFF  }
0x20f: {  	_ =	shalt  }

</sc_bundles>
